<compile_context>
chip_gen: v7x
topology: tpu7x:2x2x1
jax: 0.10.2.dev20260603
libtpu: 0.0.44.dev20260713+nightly
codegen_flags: <defaults>
</compile_context>

<pallas_src>
import functools

import jax
import jax.numpy as jnp
from jax import lax
from jax.experimental import pallas as pl
from jax.experimental.pallas import tpu as pltpu
from jax.experimental.pallas import tpu_sc as plsc

B, S, F = 1024, 200, 64
SD, WD = 32, 32
OUT_D = F + SD + WD
N = B * S
NUM_CORES = 2
NUM_SUBCORES = 16
NW = NUM_CORES * NUM_SUBCORES
TOK_W = N // NW
C = 128
ITERS = TOK_W // C

_mesh = plsc.VectorSubcoreMesh(core_axis_name="c", subcore_axis_name="s")


@functools.partial(
    pl.kernel,
    mesh=_mesh,
    compiler_params=pltpu.CompilerParams(use_tc_tiling_on_sc=False),
    out_type=jax.ShapeDtypeStruct((N, OUT_D), jnp.float32),
    scratch_types=[
        pltpu.VMEM((TOK_W,), jnp.int32),
        pltpu.VMEM((TOK_W,), jnp.int32),
        pltpu.VMEM((2, C, F), jnp.float32),
        pltpu.VMEM((2, C, SD), jnp.float32),
        pltpu.VMEM((2, C, WD), jnp.float32),
        pltpu.SemaphoreType.DMA((2,)),
        pltpu.SemaphoreType.DMA((2,)),
    ],
)
def _emb_kernel(feat_hbm, sids_hbm, wids_hbm, stab_hbm, wtab_hbm, out_hbm,
                widx_v, sidx_v, feat_v, srows_v, wrows_v, in_sem, out_sem):
    wid = lax.axis_index("s") * NUM_CORES + lax.axis_index("c")
    base0 = wid * TOK_W
    pltpu.sync_copy(wids_hbm.at[pl.ds(base0, TOK_W)], widx_v)
    pltpu.sync_copy(sids_hbm.at[pl.ds(base0, TOK_W)], sidx_v)

    def start_in(c, p):
        base = base0 + c * C
        pltpu.async_copy(feat_hbm.at[pl.ds(base, C)], feat_v.at[p], in_sem.at[p])
        pltpu.async_copy(
            stab_hbm.at[sidx_v.at[pl.ds(c * C, C)]], srows_v.at[p], in_sem.at[p])
        pltpu.async_copy(
            wtab_hbm.at[widx_v.at[pl.ds(c * C, C)]], wrows_v.at[p], in_sem.at[p])

    def wait_in(p):
        pltpu.make_async_copy(
            feat_hbm.at[pl.ds(0, C)], feat_v.at[p], in_sem.at[p]).wait()
        pltpu.make_async_copy(
            stab_hbm.at[pl.ds(0, C)], srows_v.at[p], in_sem.at[p]).wait()
        pltpu.make_async_copy(
            wtab_hbm.at[pl.ds(0, C)], wrows_v.at[p], in_sem.at[p]).wait()

    def start_out(c, p):
        base = base0 + c * C
        pltpu.async_copy(
            feat_v.at[p], out_hbm.at[pl.ds(base, C), pl.ds(0, F)], out_sem.at[p])
        pltpu.async_copy(
            srows_v.at[p], out_hbm.at[pl.ds(base, C), pl.ds(F, SD)], out_sem.at[p])
        pltpu.async_copy(
            wrows_v.at[p], out_hbm.at[pl.ds(base, C), pl.ds(F + SD, WD)],
            out_sem.at[p])

    def wait_out(c, p):
        base = base0 + c * C
        pltpu.make_async_copy(
            feat_v.at[p], out_hbm.at[pl.ds(base, C), pl.ds(0, F)],
            out_sem.at[p]).wait()
        pltpu.make_async_copy(
            srows_v.at[p], out_hbm.at[pl.ds(base, C), pl.ds(F, SD)],
            out_sem.at[p]).wait()
        pltpu.make_async_copy(
            wrows_v.at[p], out_hbm.at[pl.ds(base, C), pl.ds(F + SD, WD)],
            out_sem.at[p]).wait()

    start_in(0, 0)

    def body(it, carry):
        p = lax.rem(it, 2)
        q = 1 - p

        @pl.when(it >= 1)
        def _():
            wait_out(it - 1, q)

        @pl.when(it < ITERS - 1)
        def _():
            start_in(it + 1, q)

        wait_in(p)
        start_out(it, p)
        return carry

    lax.fori_loop(0, ITERS, body, 0)
    wait_out(ITERS - 1, lax.rem(ITERS - 1, 2))


def kernel(feature_tensor, shape_ids, word_ids, shape_table, word_table):
    feat = feature_tensor.reshape(N, F)
    sids = shape_ids.reshape(N).astype(jnp.int32)
    wids = word_ids.reshape(N).astype(jnp.int32)
    out = _emb_kernel(feat, sids, wids, shape_table, word_table)
    return out.reshape(B, S, OUT_D)

# --- scband reference (transcript-rebuilt; emitter-appended) ---
"""Pipeline reference for scband-feature-embedding-3985729651255 (READ-ONLY COPY).

The authoritative reference and input builder live on the scoring server;
editing this copy changes nothing except your own understanding.
"""

import jax, jax.numpy as jnp
import numpy as np

BATCH = 1024
SEQ = 200
BASE_DIM = 64  # b(16) + l(32) + f(16)
WORD_VOCAB = 1000001  # len(idx2word) + 1
WORD_DIM = 32
SHAPE_VOCAB = 1001  # len(idx2shape) + 1
SHAPE_DIM = 32


def setup_inputs(seed: int = 0) -> dict:
    key = jax.random.key(seed)
    k1, k2, k3, k4, k5 = jax.random.split(key, 5)
    feature_tensor = jax.random.normal(k1, (BATCH, SEQ, BASE_DIM), dtype=jnp.float32)
    shape_ids = jax.random.randint(k2, (BATCH, SEQ), 0, SHAPE_VOCAB, dtype=jnp.int64 if jax.config.jax_enable_x64 else jnp.int32)
    word_ids = jax.random.randint(k3, (BATCH, SEQ), 0, WORD_VOCAB, dtype=jnp.int64 if jax.config.jax_enable_x64 else jnp.int32)
    shape_table = jax.random.normal(k4, (SHAPE_VOCAB, SHAPE_DIM), dtype=jnp.float32) * 0.02
    word_table = jax.random.normal(k5, (WORD_VOCAB, WORD_DIM), dtype=jnp.float32) * 0.02
    return {
        "feature_tensor": feature_tensor,
        "shape_ids": shape_ids,
        "word_ids": word_ids,
        "shape_table": shape_table,
        "word_table": word_table,
    }


def reference(feature_tensor, shape_ids, word_ids, shape_table, word_table):
    # Faithful tensorized translation of FeatureEmbedding.forward with
    # use_features='wbslf' and use_dense=False:
    #   1) dense basic/length/frequency features are precomputed in feature_tensor
    #   2) shape embedding lookup  -> concat on last dim
    #   3) word embedding lookup   -> concat on last dim
    shape_emb = jnp.take(shape_table, shape_ids, axis=0)   # [B, S, SHAPE_DIM]
    word_emb = jnp.take(word_table, word_ids, axis=0)      # [B, S, WORD_DIM]
    out = jnp.concatenate([feature_tensor, shape_emb], axis=2)
    out = jnp.concatenate([out, word_emb], axis=2)
    return out

if __name__ == "__main__":
    import jax
    _d = setup_inputs()
    print(jax.jit(kernel)(*tuple(_d.values())))

</pallas_src>

<mosaic_0001>
#map = affine_map<(d0, d1) -> (0, 0)>
#map1 = affine_map<(d0, d1) -> (0)>
module attributes {stable_mosaic.version = 14 : i64} {
  func.func @_emb_kernel(%arg0: i32, %arg1: i32, %arg2: memref<204800x64xf32, #tpu.memory_space<hbm>>, %arg3: memref<204800xi32, #tpu.memory_space<hbm>>, %arg4: memref<204800xi32, #tpu.memory_space<hbm>>, %arg5: memref<1001x32xf32, #tpu.memory_space<hbm>>, %arg6: memref<1000001x32xf32, #tpu.memory_space<hbm>>, %arg7: memref<204800x128xf32, #tpu.memory_space<hbm>>, %arg8: memref<6400xi32, #tpu.memory_space<vmem>>, %arg9: memref<6400xi32, #tpu.memory_space<vmem>>, %arg10: memref<2x128x64xf32, #tpu.memory_space<vmem>>, %arg11: memref<2x128x32xf32, #tpu.memory_space<vmem>>, %arg12: memref<2x128x32xf32, #tpu.memory_space<vmem>>, %arg13: memref<2x!tpu.dma_semaphore, #tpu.memory_space<semaphore_mem>>, %arg14: memref<2x!tpu.dma_semaphore, #tpu.memory_space<semaphore_mem>>) attributes {dimension_semantics = [#tpu.dimension_semantics<core_parallel>, #tpu.dimension_semantics<subcore_parallel>], iteration_bounds = array<i64: 2, 16>, scalar_prefetch = 0 : i64, scratch_operands = 7 : i64, tpu.core_type = #tpu.core_type<sc_vector_subcore>, window_params = [{transform_indices = #map}, {transform_indices = #map1}, {transform_indices = #map1}, {transform_indices = #map}, {transform_indices = #map}, {transform_indices = #map}]} {
    %mul3A = arith.constant 2 : i32
    %mul3A_0 = arith.muli %arg1, %mul3A : i32
    %add3A = arith.addi %mul3A_0, %arg0 : i32
    %mul3A_1 = arith.constant 6400 : i32
    %mul3A_2 = arith.muli %add3A, %mul3A_1 : i32
    "tpu.region"() ({
      %run_scoped3A = tpu.sem_alloc : memref<!tpu.dma_semaphore, #tpu.memory_space<semaphore_mem>>
      %dma_start3A_96 = tpu.memref_slice %arg4[%mul3A_2] : memref<204800xi32, #tpu.memory_space<hbm>> -> memref<6400xi32, #tpu.memory_space<hbm>>
      %dma_start3A_97 = tpu.memref_slice %arg4[%mul3A_2] : memref<204800xi32, #tpu.memory_space<hbm>> -> memref<6400xi32, #tpu.memory_space<hbm>>
      tpu.enqueue_dma source(%dma_start3A_97 : memref<6400xi32, #tpu.memory_space<hbm>>) target(%arg8 : memref<6400xi32, #tpu.memory_space<vmem>>) target_semaphore(%run_scoped3A : memref<!tpu.dma_semaphore, #tpu.memory_space<semaphore_mem>>)
      %dma_wait3A_98 = tpu.memref_slice %arg4[%mul3A_2] : memref<204800xi32, #tpu.memory_space<hbm>> -> memref<6400xi32, #tpu.memory_space<hbm>>
      %dma_wait3A_99 = tpu.memref_slice %arg4[%mul3A_2] : memref<204800xi32, #tpu.memory_space<hbm>> -> memref<6400xi32, #tpu.memory_space<hbm>>
      tpu.wait_dma2 semaphore(%run_scoped3A : memref<!tpu.dma_semaphore, #tpu.memory_space<semaphore_mem>>) src(%dma_wait3A_99 : memref<6400xi32, #tpu.memory_space<hbm>>) dst(%arg8 : memref<6400xi32, #tpu.memory_space<vmem>>)
      tpu.yield
    }) : () -> ()
    "tpu.region"() ({
      %run_scoped3A = tpu.sem_alloc : memref<!tpu.dma_semaphore, #tpu.memory_space<semaphore_mem>>
      %dma_start3A_96 = tpu.memref_slice %arg3[%mul3A_2] : memref<204800xi32, #tpu.memory_space<hbm>> -> memref<6400xi32, #tpu.memory_space<hbm>>
      %dma_start3A_97 = tpu.memref_slice %arg3[%mul3A_2] : memref<204800xi32, #tpu.memory_space<hbm>> -> memref<6400xi32, #tpu.memory_space<hbm>>
      tpu.enqueue_dma source(%dma_start3A_97 : memref<6400xi32, #tpu.memory_space<hbm>>) target(%arg9 : memref<6400xi32, #tpu.memory_space<vmem>>) target_semaphore(%run_scoped3A : memref<!tpu.dma_semaphore, #tpu.memory_space<semaphore_mem>>)
      %dma_wait3A_98 = tpu.memref_slice %arg3[%mul3A_2] : memref<204800xi32, #tpu.memory_space<hbm>> -> memref<6400xi32, #tpu.memory_space<hbm>>
      %dma_wait3A_99 = tpu.memref_slice %arg3[%mul3A_2] : memref<204800xi32, #tpu.memory_space<hbm>> -> memref<6400xi32, #tpu.memory_space<hbm>>
      tpu.wait_dma2 semaphore(%run_scoped3A : memref<!tpu.dma_semaphore, #tpu.memory_space<semaphore_mem>>) src(%dma_wait3A_99 : memref<6400xi32, #tpu.memory_space<hbm>>) dst(%arg9 : memref<6400xi32, #tpu.memory_space<vmem>>)
      tpu.yield
    }) : () -> ()
    %add3A_3 = arith.constant 0 : i32
    %add3A_4 = arith.addi %mul3A_2, %add3A_3 : i32
    %dma_start3A = arith.constant 0 : i32
    %dma_start3A_5 = arith.constant 0 : i32
    %dma_start3A_6 = arith.constant 0 : i32
    %dma_start3A_7 = arith.constant 0 : i32
    %dma_start3A_8 = tpu.memref_slice %arg10[%dma_start3A, %dma_start3A_6, %dma_start3A_7] : memref<2x128x64xf32, #tpu.memory_space<vmem>> -> memref<1x128x64xf32, #tpu.memory_space<vmem>>
    %dma_start3A_9 = tpu.memref_squeeze %dma_start3A_8 : memref<1x128x64xf32, #tpu.memory_space<vmem>> -> memref<128x64xf32, #tpu.memory_space<vmem>>
    %dma_start3A_10 = arith.constant 0 : i32
    %dma_start3A_11 = tpu.memref_slice %arg2[%add3A_4, %dma_start3A_10] : memref<204800x64xf32, #tpu.memory_space<hbm>> -> memref<128x64xf32, #tpu.memory_space<hbm>>
    %dma_start3A_12 = tpu.memref_slice %arg13[%dma_start3A_5] : memref<2x!tpu.dma_semaphore, #tpu.memory_space<semaphore_mem>> -> memref<1x!tpu.dma_semaphore, #tpu.memory_space<semaphore_mem>>
    %dma_start3A_13 = tpu.memref_squeeze %dma_start3A_12 : memref<1x!tpu.dma_semaphore, #tpu.memory_space<semaphore_mem>> -> memref<!tpu.dma_semaphore, #tpu.memory_space<semaphore_mem>>
    %dma_start3A_14 = arith.constant 0 : i32
    %dma_start3A_15 = arith.constant 0 : i32
    %dma_start3A_16 = tpu.memref_slice %arg10[%dma_start3A, %dma_start3A_14, %dma_start3A_15] : memref<2x128x64xf32, #tpu.memory_space<vmem>> -> memref<1x128x64xf32, #tpu.memory_space<vmem>>
    %dma_start3A_17 = tpu.memref_squeeze %dma_start3A_16 : memref<1x128x64xf32, #tpu.memory_space<vmem>> -> memref<128x64xf32, #tpu.memory_space<vmem>>
    %dma_start3A_18 = arith.constant 0 : i32
    %dma_start3A_19 = tpu.memref_slice %arg2[%add3A_4, %dma_start3A_18] : memref<204800x64xf32, #tpu.memory_space<hbm>> -> memref<128x64xf32, #tpu.memory_space<hbm>>
    tpu.enqueue_dma source(%dma_start3A_19 : memref<128x64xf32, #tpu.memory_space<hbm>>) target(%dma_start3A_17 : memref<128x64xf32, #tpu.memory_space<vmem>>) target_semaphore(%dma_start3A_13 : memref<!tpu.dma_semaphore, #tpu.memory_space<semaphore_mem>>)
    %dma_start3A_20 = arith.constant 0 : i32
    %dma_start3A_21 = arith.constant 0 : i32
    %dma_start3A_22 = arith.constant 0 : i32
    %dma_start3A_23 = arith.constant 0 : i32
    %dma_start3A_24 = tpu.memref_slice %arg11[%dma_start3A_20, %dma_start3A_22, %dma_start3A_23] : memref<2x128x32xf32, #tpu.memory_space<vmem>> -> memref<1x128x32xf32, #tpu.memory_space<vmem>>
    %dma_start3A_25 = tpu.memref_squeeze %dma_start3A_24 : memref<1x128x32xf32, #tpu.memory_space<vmem>> -> memref<128x32xf32, #tpu.memory_space<vmem>>
    %dma_start3A_26 = arith.constant 0 : i32
    %dma_start3A_27 = tpu.memref_slice %arg9[%dma_start3A_26] : memref<6400xi32, #tpu.memory_space<vmem>> -> memref<128xi32, #tpu.memory_space<vmem>>
    %dma_start3A_28 = arith.constant 0 : i32
    %dma_start3A_29 = arith.constant 0 : i32
    %dma_start3A_30 = tpu.memref_slice %arg5[%dma_start3A_28, %dma_start3A_29] : memref<1001x32xf32, #tpu.memory_space<hbm>> -> memref<1001x32xf32, #tpu.memory_space<hbm>>
    %dma_start3A_31 = tpu.memref_slice %arg13[%dma_start3A_21] : memref<2x!tpu.dma_semaphore, #tpu.memory_space<semaphore_mem>> -> memref<1x!tpu.dma_semaphore, #tpu.memory_space<semaphore_mem>>
    %dma_start3A_32 = tpu.memref_squeeze %dma_start3A_31 : memref<1x!tpu.dma_semaphore, #tpu.memory_space<semaphore_mem>> -> memref<!tpu.dma_semaphore, #tpu.memory_space<semaphore_mem>>
    tpu.enqueue_indirect_dma source(%dma_start3A_30 : memref<1001x32xf32, #tpu.memory_space<hbm>>) target(%dma_start3A_25 : memref<128x32xf32, #tpu.memory_space<vmem>>) offsets(%dma_start3A_27 : memref<128xi32, #tpu.memory_space<vmem>>) semaphore(%dma_start3A_32 : memref<!tpu.dma_semaphore, #tpu.memory_space<semaphore_mem>>)
    %dma_start3A_33 = arith.constant 0 : i32
    %dma_start3A_34 = arith.constant 0 : i32
    %dma_start3A_35 = arith.constant 0 : i32
    %dma_start3A_36 = arith.constant 0 : i32
    %dma_start3A_37 = tpu.memref_slice %arg12[%dma_start3A_33, %dma_start3A_35, %dma_start3A_36] : memref<2x128x32xf32, #tpu.memory_space<vmem>> -> memref<1x128x32xf32, #tpu.memory_space<vmem>>
    %dma_start3A_38 = tpu.memref_squeeze %dma_start3A_37 : memref<1x128x32xf32, #tpu.memory_space<vmem>> -> memref<128x32xf32, #tpu.memory_space<vmem>>
    %dma_start3A_39 = arith.constant 0 : i32
    %dma_start3A_40 = tpu.memref_slice %arg8[%dma_start3A_39] : memref<6400xi32, #tpu.memory_space<vmem>> -> memref<128xi32, #tpu.memory_space<vmem>>
    %dma_start3A_41 = arith.constant 0 : i32
    %dma_start3A_42 = arith.constant 0 : i32
    %dma_start3A_43 = tpu.memref_slice %arg6[%dma_start3A_41, %dma_start3A_42] : memref<1000001x32xf32, #tpu.memory_space<hbm>> -> memref<1000001x32xf32, #tpu.memory_space<hbm>>
    %dma_start3A_44 = tpu.memref_slice %arg13[%dma_start3A_34] : memref<2x!tpu.dma_semaphore, #tpu.memory_space<semaphore_mem>> -> memref<1x!tpu.dma_semaphore, #tpu.memory_space<semaphore_mem>>
    %dma_start3A_45 = tpu.memref_squeeze %dma_start3A_44 : memref<1x!tpu.dma_semaphore, #tpu.memory_space<semaphore_mem>> -> memref<!tpu.dma_semaphore, #tpu.memory_space<semaphore_mem>>
    tpu.enqueue_indirect_dma source(%dma_start3A_43 : memref<1000001x32xf32, #tpu.memory_space<hbm>>) target(%dma_start3A_38 : memref<128x32xf32, #tpu.memory_space<vmem>>) offsets(%dma_start3A_40 : memref<128xi32, #tpu.memory_space<vmem>>) semaphore(%dma_start3A_45 : memref<!tpu.dma_semaphore, #tpu.memory_space<semaphore_mem>>)
    %scan3A = arith.constant 0 : i32
    %scan3A_46 = arith.constant 0 : i32
    %scan3A_47 = arith.constant 50 : i32
    %scan3A_48 = arith.addi %scan3A_46, %scan3A_47 : i32
    %scan3A_49 = arith.constant 1 : i32
    scf.for %scan3A_96 = %scan3A_46 to %scan3A_48 step %scan3A_49  : i32 {
      %rem3A_97 = arith.constant 2 : i32
      %rem3A_98 = arith.remsi %scan3A_96, %rem3A_97 : i32
      %sub3A = arith.constant 1 : i32
      %sub3A_99 = arith.subi %sub3A, %rem3A_98 : i32
      %ge3A = arith.constant 1 : i32
      %ge3A_100 = arith.cmpi sge, %scan3A_96, %ge3A : i32
      %convert_element_type3A = arith.extui %ge3A_100 : i1 to i32
      %cond3A = arith.constant 0 : i32
      %cond3A_101 = arith.cmpi ne, %convert_element_type3A, %cond3A : i32
      scf.if %cond3A_101 {
        %sub3A_199 = arith.constant 1 : i32
        %sub3A_200 = arith.subi %scan3A_96, %sub3A_199 : i32
        %mul3A_201 = arith.constant 128 : i32
        %mul3A_202 = arith.muli %sub3A_200, %mul3A_201 : i32
        %add3A_203 = arith.addi %mul3A_2, %mul3A_202 : i32
        %dma_wait3A_204 = arith.constant 0 : i32
        %dma_wait3A_205 = arith.constant 0 : i32
        %dma_wait3A_206 = tpu.memref_slice %arg10[%sub3A_99, %dma_wait3A_204, %dma_wait3A_205] : memref<2x128x64xf32, #tpu.memory_space<vmem>> -> memref<1x128x64xf32, #tpu.memory_space<vmem>>
        %dma_wait3A_207 = tpu.memref_squeeze %dma_wait3A_206 : memref<1x128x64xf32, #tpu.memory_space<vmem>> -> memref<128x64xf32, #tpu.memory_space<vmem>>
        %dma_wait3A_208 = arith.constant 0 : i32
        %dma_wait3A_209 = tpu.memref_slice %arg7[%add3A_203, %dma_wait3A_208] : memref<204800x128xf32, #tpu.memory_space<hbm>> -> memref<128x64xf32, #tpu.memory_space<hbm>>
        %dma_wait3A_210 = tpu.memref_slice %arg14[%sub3A_99] : memref<2x!tpu.dma_semaphore, #tpu.memory_space<semaphore_mem>> -> memref<1x!tpu.dma_semaphore, #tpu.memory_space<semaphore_mem>>
        %dma_wait3A_211 = tpu.memref_squeeze %dma_wait3A_210 : memref<1x!tpu.dma_semaphore, #tpu.memory_space<semaphore_mem>> -> memref<!tpu.dma_semaphore, #tpu.memory_space<semaphore_mem>>
        %dma_wait3A_212 = arith.constant 0 : i32
        %dma_wait3A_213 = tpu.memref_slice %arg7[%add3A_203, %dma_wait3A_212] : memref<204800x128xf32, #tpu.memory_space<hbm>> -> memref<128x64xf32, #tpu.memory_space<hbm>>
        %dma_wait3A_214 = arith.constant 0 : i32
        %dma_wait3A_215 = arith.constant 0 : i32
        %dma_wait3A_216 = tpu.memref_slice %arg10[%sub3A_99, %dma_wait3A_214, %dma_wait3A_215] : memref<2x128x64xf32, #tpu.memory_space<vmem>> -> memref<1x128x64xf32, #tpu.memory_space<vmem>>
        %dma_wait3A_217 = tpu.memref_squeeze %dma_wait3A_216 : memref<1x128x64xf32, #tpu.memory_space<vmem>> -> memref<128x64xf32, #tpu.memory_space<vmem>>
        tpu.wait_dma2 semaphore(%dma_wait3A_211 : memref<!tpu.dma_semaphore, #tpu.memory_space<semaphore_mem>>) src(%dma_wait3A_217 : memref<128x64xf32, #tpu.memory_space<vmem>>) dst(%dma_wait3A_213 : memref<128x64xf32, #tpu.memory_space<hbm>>)
        %dma_wait3A_218 = arith.constant 0 : i32
        %dma_wait3A_219 = arith.constant 0 : i32
        %dma_wait3A_220 = tpu.memref_slice %arg11[%sub3A_99, %dma_wait3A_218, %dma_wait3A_219] : memref<2x128x32xf32, #tpu.memory_space<vmem>> -> memref<1x128x32xf32, #tpu.memory_space<vmem>>
        %dma_wait3A_221 = tpu.memref_squeeze %dma_wait3A_220 : memref<1x128x32xf32, #tpu.memory_space<vmem>> -> memref<128x32xf32, #tpu.memory_space<vmem>>
        %dma_wait3A_222 = arith.constant 64 : i32
        %dma_wait3A_223 = tpu.memref_slice %arg7[%add3A_203, %dma_wait3A_222] : memref<204800x128xf32, #tpu.memory_space<hbm>> -> memref<128x32xf32, #tpu.memory_space<hbm>>
        %dma_wait3A_224 = tpu.memref_slice %arg14[%sub3A_99] : memref<2x!tpu.dma_semaphore, #tpu.memory_space<semaphore_mem>> -> memref<1x!tpu.dma_semaphore, #tpu.memory_space<semaphore_mem>>
        %dma_wait3A_225 = tpu.memref_squeeze %dma_wait3A_224 : memref<1x!tpu.dma_semaphore, #tpu.memory_space<semaphore_mem>> -> memref<!tpu.dma_semaphore, #tpu.memory_space<semaphore_mem>>
        %dma_wait3A_226 = arith.constant 64 : i32
        %dma_wait3A_227 = tpu.memref_slice %arg7[%add3A_203, %dma_wait3A_226] : memref<204800x128xf32, #tpu.memory_space<hbm>> -> memref<128x32xf32, #tpu.memory_space<hbm>>
        %dma_wait3A_228 = arith.constant 0 : i32
        %dma_wait3A_229 = arith.constant 0 : i32
        %dma_wait3A_230 = tpu.memref_slice %arg11[%sub3A_99, %dma_wait3A_228, %dma_wait3A_229] : memref<2x128x32xf32, #tpu.memory_space<vmem>> -> memref<1x128x32xf32, #tpu.memory_space<vmem>>
        %dma_wait3A_231 = tpu.memref_squeeze %dma_wait3A_230 : memref<1x128x32xf32, #tpu.memory_space<vmem>> -> memref<128x32xf32, #tpu.memory_space<vmem>>
        tpu.wait_dma2 semaphore(%dma_wait3A_225 : memref<!tpu.dma_semaphore, #tpu.memory_space<semaphore_mem>>) src(%dma_wait3A_231 : memref<128x32xf32, #tpu.memory_space<vmem>>) dst(%dma_wait3A_227 : memref<128x32xf32, #tpu.memory_space<hbm>>)
        %dma_wait3A_232 = arith.constant 0 : i32
        %dma_wait3A_233 = arith.constant 0 : i32
        %dma_wait3A_234 = tpu.memref_slice %arg12[%sub3A_99, %dma_wait3A_232, %dma_wait3A_233] : memref<2x128x32xf32, #tpu.memory_space<vmem>> -> memref<1x128x32xf32, #tpu.memory_space<vmem>>
        %dma_wait3A_235 = tpu.memref_squeeze %dma_wait3A_234 : memref<1x128x32xf32, #tpu.memory_space<vmem>> -> memref<128x32xf32, #tpu.memory_space<vmem>>
        %dma_wait3A_236 = arith.constant 96 : i32
        %dma_wait3A_237 = tpu.memref_slice %arg7[%add3A_203, %dma_wait3A_236] : memref<204800x128xf32, #tpu.memory_space<hbm>> -> memref<128x32xf32, #tpu.memory_space<hbm>>
        %dma_wait3A_238 = tpu.memref_slice %arg14[%sub3A_99] : memref<2x!tpu.dma_semaphore, #tpu.memory_space<semaphore_mem>> -> memref<1x!tpu.dma_semaphore, #tpu.memory_space<semaphore_mem>>
        %dma_wait3A_239 = tpu.memref_squeeze %dma_wait3A_238 : memref<1x!tpu.dma_semaphore, #tpu.memory_space<semaphore_mem>> -> memref<!tpu.dma_semaphore, #tpu.memory_space<semaphore_mem>>
        %dma_wait3A_240 = arith.constant 96 : i32
        %dma_wait3A_241 = tpu.memref_slice %arg7[%add3A_203, %dma_wait3A_240] : memref<204800x128xf32, #tpu.memory_space<hbm>> -> memref<128x32xf32, #tpu.memory_space<hbm>>
        %dma_wait3A_242 = arith.constant 0 : i32
        %dma_wait3A_243 = arith.constant 0 : i32
        %dma_wait3A_244 = tpu.memref_slice %arg12[%sub3A_99, %dma_wait3A_242, %dma_wait3A_243] : memref<2x128x32xf32, #tpu.memory_space<vmem>> -> memref<1x128x32xf32, #tpu.memory_space<vmem>>
        %dma_wait3A_245 = tpu.memref_squeeze %dma_wait3A_244 : memref<1x128x32xf32, #tpu.memory_space<vmem>> -> memref<128x32xf32, #tpu.memory_space<vmem>>
        tpu.wait_dma2 semaphore(%dma_wait3A_239 : memref<!tpu.dma_semaphore, #tpu.memory_space<semaphore_mem>>) src(%dma_wait3A_245 : memref<128x32xf32, #tpu.memory_space<vmem>>) dst(%dma_wait3A_241 : memref<128x32xf32, #tpu.memory_space<hbm>>)
      } else {
      }
      %lt3A = arith.constant 49 : i32
      %lt3A_102 = arith.cmpi slt, %scan3A_96, %lt3A : i32
      %convert_element_type3A_103 = arith.extui %lt3A_102 : i1 to i32
      %cond3A_104 = arith.constant 0 : i32
      %cond3A_105 = arith.cmpi ne, %convert_element_type3A_103, %cond3A_104 : i32
      scf.if %cond3A_105 {
        %add3A_199 = arith.constant 1 : i32
        %add3A_200 = arith.addi %scan3A_96, %add3A_199 : i32
        %mul3A_201 = arith.constant 128 : i32
        %mul3A_202 = arith.muli %add3A_200, %mul3A_201 : i32
        %add3A_203 = arith.addi %mul3A_2, %mul3A_202 : i32
        %dma_start3A_204 = arith.constant 0 : i32
        %dma_start3A_205 = arith.constant 0 : i32
        %dma_start3A_206 = tpu.memref_slice %arg10[%sub3A_99, %dma_start3A_204, %dma_start3A_205] : memref<2x128x64xf32, #tpu.memory_space<vmem>> -> memref<1x128x64xf32, #tpu.memory_space<vmem>>
        %dma_start3A_207 = tpu.memref_squeeze %dma_start3A_206 : memref<1x128x64xf32, #tpu.memory_space<vmem>> -> memref<128x64xf32, #tpu.memory_space<vmem>>
        %dma_start3A_208 = arith.constant 0 : i32
        %dma_start3A_209 = tpu.memref_slice %arg2[%add3A_203, %dma_start3A_208] : memref<204800x64xf32, #tpu.memory_space<hbm>> -> memref<128x64xf32, #tpu.memory_space<hbm>>
        %dma_start3A_210 = tpu.memref_slice %arg13[%sub3A_99] : memref<2x!tpu.dma_semaphore, #tpu.memory_space<semaphore_mem>> -> memref<1x!tpu.dma_semaphore, #tpu.memory_space<semaphore_mem>>
        %dma_start3A_211 = tpu.memref_squeeze %dma_start3A_210 : memref<1x!tpu.dma_semaphore, #tpu.memory_space<semaphore_mem>> -> memref<!tpu.dma_semaphore, #tpu.memory_space<semaphore_mem>>
        %dma_start3A_212 = arith.constant 0 : i32
        %dma_start3A_213 = arith.constant 0 : i32
        %dma_start3A_214 = tpu.memref_slice %arg10[%sub3A_99, %dma_start3A_212, %dma_start3A_213] : memref<2x128x64xf32, #tpu.memory_space<vmem>> -> memref<1x128x64xf32, #tpu.memory_space<vmem>>
        %dma_start3A_215 = tpu.memref_squeeze %dma_start3A_214 : memref<1x128x64xf32, #tpu.memory_space<vmem>> -> memref<128x64xf32, #tpu.memory_space<vmem>>
        %dma_start3A_216 = arith.constant 0 : i32
        %dma_start3A_217 = tpu.memref_slice %arg2[%add3A_203, %dma_start3A_216] : memref<204800x64xf32, #tpu.memory_space<hbm>> -> memref<128x64xf32, #tpu.memory_space<hbm>>
        tpu.enqueue_dma source(%dma_start3A_217 : memref<128x64xf32, #tpu.memory_space<hbm>>) target(%dma_start3A_215 : memref<128x64xf32, #tpu.memory_space<vmem>>) target_semaphore(%dma_start3A_211 : memref<!tpu.dma_semaphore, #tpu.memory_space<semaphore_mem>>)
        %mul3A_218 = arith.constant 128 : i32
        %mul3A_219 = arith.muli %add3A_200, %mul3A_218 : i32
        %dma_start3A_220 = arith.constant 0 : i32
        %dma_start3A_221 = arith.constant 0 : i32
        %dma_start3A_222 = tpu.memref_slice %arg11[%sub3A_99, %dma_start3A_220, %dma_start3A_221] : memref<2x128x32xf32, #tpu.memory_space<vmem>> -> memref<1x128x32xf32, #tpu.memory_space<vmem>>
        %dma_start3A_223 = tpu.memref_squeeze %dma_start3A_222 : memref<1x128x32xf32, #tpu.memory_space<vmem>> -> memref<128x32xf32, #tpu.memory_space<vmem>>
        %dma_start3A_224 = tpu.memref_slice %arg9[%mul3A_219] : memref<6400xi32, #tpu.memory_space<vmem>> -> memref<128xi32, #tpu.memory_space<vmem>>
        %dma_start3A_225 = arith.constant 0 : i32
        %dma_start3A_226 = arith.constant 0 : i32
        %dma_start3A_227 = tpu.memref_slice %arg5[%dma_start3A_225, %dma_start3A_226] : memref<1001x32xf32, #tpu.memory_space<hbm>> -> memref<1001x32xf32, #tpu.memory_space<hbm>>
        %dma_start3A_228 = tpu.memref_slice %arg13[%sub3A_99] : memref<2x!tpu.dma_semaphore, #tpu.memory_space<semaphore_mem>> -> memref<1x!tpu.dma_semaphore, #tpu.memory_space<semaphore_mem>>
        %dma_start3A_229 = tpu.memref_squeeze %dma_start3A_228 : memref<1x!tpu.dma_semaphore, #tpu.memory_space<semaphore_mem>> -> memref<!tpu.dma_semaphore, #tpu.memory_space<semaphore_mem>>
        tpu.enqueue_indirect_dma source(%dma_start3A_227 : memref<1001x32xf32, #tpu.memory_space<hbm>>) target(%dma_start3A_223 : memref<128x32xf32, #tpu.memory_space<vmem>>) offsets(%dma_start3A_224 : memref<128xi32, #tpu.memory_space<vmem>>) semaphore(%dma_start3A_229 : memref<!tpu.dma_semaphore, #tpu.memory_space<semaphore_mem>>)
        %mul3A_230 = arith.constant 128 : i32
        %mul3A_231 = arith.muli %add3A_200, %mul3A_230 : i32
        %dma_start3A_232 = arith.constant 0 : i32
        %dma_start3A_233 = arith.constant 0 : i32
        %dma_start3A_234 = tpu.memref_slice %arg12[%sub3A_99, %dma_start3A_232, %dma_start3A_233] : memref<2x128x32xf32, #tpu.memory_space<vmem>> -> memref<1x128x32xf32, #tpu.memory_space<vmem>>
        %dma_start3A_235 = tpu.memref_squeeze %dma_start3A_234 : memref<1x128x32xf32, #tpu.memory_space<vmem>> -> memref<128x32xf32, #tpu.memory_space<vmem>>
        %dma_start3A_236 = tpu.memref_slice %arg8[%mul3A_231] : memref<6400xi32, #tpu.memory_space<vmem>> -> memref<128xi32, #tpu.memory_space<vmem>>
        %dma_start3A_237 = arith.constant 0 : i32
        %dma_start3A_238 = arith.constant 0 : i32
        %dma_start3A_239 = tpu.memref_slice %arg6[%dma_start3A_237, %dma_start3A_238] : memref<1000001x32xf32, #tpu.memory_space<hbm>> -> memref<1000001x32xf32, #tpu.memory_space<hbm>>
        %dma_start3A_240 = tpu.memref_slice %arg13[%sub3A_99] : memref<2x!tpu.dma_semaphore, #tpu.memory_space<semaphore_mem>> -> memref<1x!tpu.dma_semaphore, #tpu.memory_space<semaphore_mem>>
        %dma_start3A_241 = tpu.memref_squeeze %dma_start3A_240 : memref<1x!tpu.dma_semaphore, #tpu.memory_space<semaphore_mem>> -> memref<!tpu.dma_semaphore, #tpu.memory_space<semaphore_mem>>
        tpu.enqueue_indirect_dma source(%dma_start3A_239 : memref<1000001x32xf32, #tpu.memory_space<hbm>>) target(%dma_start3A_235 : memref<128x32xf32, #tpu.memory_space<vmem>>) offsets(%dma_start3A_236 : memref<128xi32, #tpu.memory_space<vmem>>) semaphore(%dma_start3A_241 : memref<!tpu.dma_semaphore, #tpu.memory_space<semaphore_mem>>)
      } else {
      }
      %dma_wait3A_106 = arith.constant 0 : i32
      %dma_wait3A_107 = arith.constant 0 : i32
      %dma_wait3A_108 = tpu.memref_slice %arg10[%rem3A_98, %dma_wait3A_106, %dma_wait3A_107] : memref<2x128x64xf32, #tpu.memory_space<vmem>> -> memref<1x128x64xf32, #tpu.memory_space<vmem>>
      %dma_wait3A_109 = tpu.memref_squeeze %dma_wait3A_108 : memref<1x128x64xf32, #tpu.memory_space<vmem>> -> memref<128x64xf32, #tpu.memory_space<vmem>>
      %dma_wait3A_110 = arith.constant 0 : i32
      %dma_wait3A_111 = arith.constant 0 : i32
      %dma_wait3A_112 = tpu.memref_slice %arg2[%dma_wait3A_110, %dma_wait3A_111] : memref<204800x64xf32, #tpu.memory_space<hbm>> -> memref<128x64xf32, #tpu.memory_space<hbm>>
      %dma_wait3A_113 = tpu.memref_slice %arg13[%rem3A_98] : memref<2x!tpu.dma_semaphore, #tpu.memory_space<semaphore_mem>> -> memref<1x!tpu.dma_semaphore, #tpu.memory_space<semaphore_mem>>
      %dma_wait3A_114 = tpu.memref_squeeze %dma_wait3A_113 : memref<1x!tpu.dma_semaphore, #tpu.memory_space<semaphore_mem>> -> memref<!tpu.dma_semaphore, #tpu.memory_space<semaphore_mem>>
      %dma_wait3A_115 = arith.constant 0 : i32
      %dma_wait3A_116 = arith.constant 0 : i32
      %dma_wait3A_117 = tpu.memref_slice %arg10[%rem3A_98, %dma_wait3A_115, %dma_wait3A_116] : memref<2x128x64xf32, #tpu.memory_space<vmem>> -> memref<1x128x64xf32, #tpu.memory_space<vmem>>
      %dma_wait3A_118 = tpu.memref_squeeze %dma_wait3A_117 : memref<1x128x64xf32, #tpu.memory_space<vmem>> -> memref<128x64xf32, #tpu.memory_space<vmem>>
      %dma_wait3A_119 = arith.constant 0 : i32
      %dma_wait3A_120 = arith.constant 0 : i32
      %dma_wait3A_121 = tpu.memref_slice %arg2[%dma_wait3A_119, %dma_wait3A_120] : memref<204800x64xf32, #tpu.memory_space<hbm>> -> memref<128x64xf32, #tpu.memory_space<hbm>>
      tpu.wait_dma2 semaphore(%dma_wait3A_114 : memref<!tpu.dma_semaphore, #tpu.memory_space<semaphore_mem>>) src(%dma_wait3A_121 : memref<128x64xf32, #tpu.memory_space<hbm>>) dst(%dma_wait3A_118 : memref<128x64xf32, #tpu.memory_space<vmem>>)
      %dma_wait3A_122 = arith.constant 0 : i32
      %dma_wait3A_123 = arith.constant 0 : i32
      %dma_wait3A_124 = tpu.memref_slice %arg11[%rem3A_98, %dma_wait3A_122, %dma_wait3A_123] : memref<2x128x32xf32, #tpu.memory_space<vmem>> -> memref<1x128x32xf32, #tpu.memory_space<vmem>>
      %dma_wait3A_125 = tpu.memref_squeeze %dma_wait3A_124 : memref<1x128x32xf32, #tpu.memory_space<vmem>> -> memref<128x32xf32, #tpu.memory_space<vmem>>
      %dma_wait3A_126 = arith.constant 0 : i32
      %dma_wait3A_127 = arith.constant 0 : i32
      %dma_wait3A_128 = tpu.memref_slice %arg5[%dma_wait3A_126, %dma_wait3A_127] : memref<1001x32xf32, #tpu.memory_space<hbm>> -> memref<128x32xf32, #tpu.memory_space<hbm>>
      %dma_wait3A_129 = tpu.memref_slice %arg13[%rem3A_98] : memref<2x!tpu.dma_semaphore, #tpu.memory_space<semaphore_mem>> -> memref<1x!tpu.dma_semaphore, #tpu.memory_space<semaphore_mem>>
      %dma_wait3A_130 = tpu.memref_squeeze %dma_wait3A_129 : memref<1x!tpu.dma_semaphore, #tpu.memory_space<semaphore_mem>> -> memref<!tpu.dma_semaphore, #tpu.memory_space<semaphore_mem>>
      %dma_wait3A_131 = arith.constant 0 : i32
      %dma_wait3A_132 = arith.constant 0 : i32
      %dma_wait3A_133 = tpu.memref_slice %arg11[%rem3A_98, %dma_wait3A_131, %dma_wait3A_132] : memref<2x128x32xf32, #tpu.memory_space<vmem>> -> memref<1x128x32xf32, #tpu.memory_space<vmem>>
      %dma_wait3A_134 = tpu.memref_squeeze %dma_wait3A_133 : memref<1x128x32xf32, #tpu.memory_space<vmem>> -> memref<128x32xf32, #tpu.memory_space<vmem>>
      %dma_wait3A_135 = arith.constant 0 : i32
      %dma_wait3A_136 = arith.constant 0 : i32
      %dma_wait3A_137 = tpu.memref_slice %arg5[%dma_wait3A_135, %dma_wait3A_136] : memref<1001x32xf32, #tpu.memory_space<hbm>> -> memref<128x32xf32, #tpu.memory_space<hbm>>
      tpu.wait_dma2 semaphore(%dma_wait3A_130 : memref<!tpu.dma_semaphore, #tpu.memory_space<semaphore_mem>>) src(%dma_wait3A_137 : memref<128x32xf32, #tpu.memory_space<hbm>>) dst(%dma_wait3A_134 : memref<128x32xf32, #tpu.memory_space<vmem>>)
      %dma_wait3A_138 = arith.constant 0 : i32
      %dma_wait3A_139 = arith.constant 0 : i32
      %dma_wait3A_140 = tpu.memref_slice %arg12[%rem3A_98, %dma_wait3A_138, %dma_wait3A_139] : memref<2x128x32xf32, #tpu.memory_space<vmem>> -> memref<1x128x32xf32, #tpu.memory_space<vmem>>
      %dma_wait3A_141 = tpu.memref_squeeze %dma_wait3A_140 : memref<1x128x32xf32, #tpu.memory_space<vmem>> -> memref<128x32xf32, #tpu.memory_space<vmem>>
      %dma_wait3A_142 = arith.constant 0 : i32
      %dma_wait3A_143 = arith.constant 0 : i32
      %dma_wait3A_144 = tpu.memref_slice %arg6[%dma_wait3A_142, %dma_wait3A_143] : memref<1000001x32xf32, #tpu.memory_space<hbm>> -> memref<128x32xf32, #tpu.memory_space<hbm>>
      %dma_wait3A_145 = tpu.memref_slice %arg13[%rem3A_98] : memref<2x!tpu.dma_semaphore, #tpu.memory_space<semaphore_mem>> -> memref<1x!tpu.dma_semaphore, #tpu.memory_space<semaphore_mem>>
      %dma_wait3A_146 = tpu.memref_squeeze %dma_wait3A_145 : memref<1x!tpu.dma_semaphore, #tpu.memory_space<semaphore_mem>> -> memref<!tpu.dma_semaphore, #tpu.memory_space<semaphore_mem>>
      %dma_wait3A_147 = arith.constant 0 : i32
      %dma_wait3A_148 = arith.constant 0 : i32
      %dma_wait3A_149 = tpu.memref_slice %arg12[%rem3A_98, %dma_wait3A_147, %dma_wait3A_148] : memref<2x128x32xf32, #tpu.memory_space<vmem>> -> memref<1x128x32xf32, #tpu.memory_space<vmem>>
      %dma_wait3A_150 = tpu.memref_squeeze %dma_wait3A_149 : memref<1x128x32xf32, #tpu.memory_space<vmem>> -> memref<128x32xf32, #tpu.memory_space<vmem>>
      %dma_wait3A_151 = arith.constant 0 : i32
      %dma_wait3A_152 = arith.constant 0 : i32
      %dma_wait3A_153 = tpu.memref_slice %arg6[%dma_wait3A_151, %dma_wait3A_152] : memref<1000001x32xf32, #tpu.memory_space<hbm>> -> memref<128x32xf32, #tpu.memory_space<hbm>>
      tpu.wait_dma2 semaphore(%dma_wait3A_146 : memref<!tpu.dma_semaphore, #tpu.memory_space<semaphore_mem>>) src(%dma_wait3A_153 : memref<128x32xf32, #tpu.memory_space<hbm>>) dst(%dma_wait3A_150 : memref<128x32xf32, #tpu.memory_space<vmem>>)
      %mul3A_154 = arith.constant 128 : i32
      %mul3A_155 = arith.muli %scan3A_96, %mul3A_154 : i32
      %add3A_156 = arith.addi %mul3A_2, %mul3A_155 : i32
      %dma_start3A_157 = arith.constant 0 : i32
      %dma_start3A_158 = arith.constant 0 : i32
      %dma_start3A_159 = tpu.memref_slice %arg10[%rem3A_98, %dma_start3A_157, %dma_start3A_158] : memref<2x128x64xf32, #tpu.memory_space<vmem>> -> memref<1x128x64xf32, #tpu.memory_space<vmem>>
      %dma_start3A_160 = tpu.memref_squeeze %dma_start3A_159 : memref<1x128x64xf32, #tpu.memory_space<vmem>> -> memref<128x64xf32, #tpu.memory_space<vmem>>
      %dma_start3A_161 = arith.constant 0 : i32
      %dma_start3A_162 = tpu.memref_slice %arg7[%add3A_156, %dma_start3A_161] : memref<204800x128xf32, #tpu.memory_space<hbm>> -> memref<128x64xf32, #tpu.memory_space<hbm>>
      %dma_start3A_163 = tpu.memref_slice %arg14[%rem3A_98] : memref<2x!tpu.dma_semaphore, #tpu.memory_space<semaphore_mem>> -> memref<1x!tpu.dma_semaphore, #tpu.memory_space<semaphore_mem>>
      %dma_start3A_164 = tpu.memref_squeeze %dma_start3A_163 : memref<1x!tpu.dma_semaphore, #tpu.memory_space<semaphore_mem>> -> memref<!tpu.dma_semaphore, #tpu.memory_space<semaphore_mem>>
      %dma_start3A_165 = arith.constant 0 : i32
      %dma_start3A_166 = tpu.memref_slice %arg7[%add3A_156, %dma_start3A_165] : memref<204800x128xf32, #tpu.memory_space<hbm>> -> memref<128x64xf32, #tpu.memory_space<hbm>>
      %dma_start3A_167 = arith.constant 0 : i32
      %dma_start3A_168 = arith.constant 0 : i32
      %dma_start3A_169 = tpu.memref_slice %arg10[%rem3A_98, %dma_start3A_167, %dma_start3A_168] : memref<2x128x64xf32, #tpu.memory_space<vmem>> -> memref<1x128x64xf32, #tpu.memory_space<vmem>>
      %dma_start3A_170 = tpu.memref_squeeze %dma_start3A_169 : memref<1x128x64xf32, #tpu.memory_space<vmem>> -> memref<128x64xf32, #tpu.memory_space<vmem>>
      tpu.enqueue_dma source(%dma_start3A_170 : memref<128x64xf32, #tpu.memory_space<vmem>>) target(%dma_start3A_166 : memref<128x64xf32, #tpu.memory_space<hbm>>) target_semaphore(%dma_start3A_164 : memref<!tpu.dma_semaphore, #tpu.memory_space<semaphore_mem>>)
      %dma_start3A_171 = arith.constant 0 : i32
      %dma_start3A_172 = arith.constant 0 : i32
      %dma_start3A_173 = tpu.memref_slice %arg11[%rem3A_98, %dma_start3A_171, %dma_start3A_172] : memref<2x128x32xf32, #tpu.memory_space<vmem>> -> memref<1x128x32xf32, #tpu.memory_space<vmem>>
      %dma_start3A_174 = tpu.memref_squeeze %dma_start3A_173 : memref<1x128x32xf32, #tpu.memory_space<vmem>> -> memref<128x32xf32, #tpu.memory_space<vmem>>
      %dma_start3A_175 = arith.constant 64 : i32
      %dma_start3A_176 = tpu.memref_slice %arg7[%add3A_156, %dma_start3A_175] : memref<204800x128xf32, #tpu.memory_space<hbm>> -> memref<128x32xf32, #tpu.memory_space<hbm>>
      %dma_start3A_177 = tpu.memref_slice %arg14[%rem3A_98] : memref<2x!tpu.dma_semaphore, #tpu.memory_space<semaphore_mem>> -> memref<1x!tpu.dma_semaphore, #tpu.memory_space<semaphore_mem>>
      %dma_start3A_178 = tpu.memref_squeeze %dma_start3A_177 : memref<1x!tpu.dma_semaphore, #tpu.memory_space<semaphore_mem>> -> memref<!tpu.dma_semaphore, #tpu.memory_space<semaphore_mem>>
      %dma_start3A_179 = arith.constant 64 : i32
      %dma_start3A_180 = tpu.memref_slice %arg7[%add3A_156, %dma_start3A_179] : memref<204800x128xf32, #tpu.memory_space<hbm>> -> memref<128x32xf32, #tpu.memory_space<hbm>>
      %dma_start3A_181 = arith.constant 0 : i32
      %dma_start3A_182 = arith.constant 0 : i32
      %dma_start3A_183 = tpu.memref_slice %arg11[%rem3A_98, %dma_start3A_181, %dma_start3A_182] : memref<2x128x32xf32, #tpu.memory_space<vmem>> -> memref<1x128x32xf32, #tpu.memory_space<vmem>>
      %dma_start3A_184 = tpu.memref_squeeze %dma_start3A_183 : memref<1x128x32xf32, #tpu.memory_space<vmem>> -> memref<128x32xf32, #tpu.memory_space<vmem>>
      tpu.enqueue_dma source(%dma_start3A_184 : memref<128x32xf32, #tpu.memory_space<vmem>>) target(%dma_start3A_180 : memref<128x32xf32, #tpu.memory_space<hbm>>) target_semaphore(%dma_start3A_178 : memref<!tpu.dma_semaphore, #tpu.memory_space<semaphore_mem>>)
      %dma_start3A_185 = arith.constant 0 : i32
      %dma_start3A_186 = arith.constant 0 : i32
      %dma_start3A_187 = tpu.memref_slice %arg12[%rem3A_98, %dma_start3A_185, %dma_start3A_186] : memref<2x128x32xf32, #tpu.memory_space<vmem>> -> memref<1x128x32xf32, #tpu.memory_space<vmem>>
      %dma_start3A_188 = tpu.memref_squeeze %dma_start3A_187 : memref<1x128x32xf32, #tpu.memory_space<vmem>> -> memref<128x32xf32, #tpu.memory_space<vmem>>
      %dma_start3A_189 = arith.constant 96 : i32
      %dma_start3A_190 = tpu.memref_slice %arg7[%add3A_156, %dma_start3A_189] : memref<204800x128xf32, #tpu.memory_space<hbm>> -> memref<128x32xf32, #tpu.memory_space<hbm>>
      %dma_start3A_191 = tpu.memref_slice %arg14[%rem3A_98] : memref<2x!tpu.dma_semaphore, #tpu.memory_space<semaphore_mem>> -> memref<1x!tpu.dma_semaphore, #tpu.memory_space<semaphore_mem>>
      %dma_start3A_192 = tpu.memref_squeeze %dma_start3A_191 : memref<1x!tpu.dma_semaphore, #tpu.memory_space<semaphore_mem>> -> memref<!tpu.dma_semaphore, #tpu.memory_space<semaphore_mem>>
      %dma_start3A_193 = arith.constant 96 : i32
      %dma_start3A_194 = tpu.memref_slice %arg7[%add3A_156, %dma_start3A_193] : memref<204800x128xf32, #tpu.memory_space<hbm>> -> memref<128x32xf32, #tpu.memory_space<hbm>>
      %dma_start3A_195 = arith.constant 0 : i32
      %dma_start3A_196 = arith.constant 0 : i32
      %dma_start3A_197 = tpu.memref_slice %arg12[%rem3A_98, %dma_start3A_195, %dma_start3A_196] : memref<2x128x32xf32, #tpu.memory_space<vmem>> -> memref<1x128x32xf32, #tpu.memory_space<vmem>>
      %dma_start3A_198 = tpu.memref_squeeze %dma_start3A_197 : memref<1x128x32xf32, #tpu.memory_space<vmem>> -> memref<128x32xf32, #tpu.memory_space<vmem>>
      tpu.enqueue_dma source(%dma_start3A_198 : memref<128x32xf32, #tpu.memory_space<vmem>>) target(%dma_start3A_194 : memref<128x32xf32, #tpu.memory_space<hbm>>) target_semaphore(%dma_start3A_192 : memref<!tpu.dma_semaphore, #tpu.memory_space<semaphore_mem>>)
    }
    %scan3A_50 = arith.constant 50 : i32
    %rem3A = arith.constant 49 : i32
    %rem3A_51 = arith.constant 2 : i32
    %rem3A_52 = arith.remsi %rem3A, %rem3A_51 : i32
    %add3A_53 = arith.constant 6272 : i32
    %add3A_54 = arith.addi %mul3A_2, %add3A_53 : i32
    %dma_wait3A = arith.constant 0 : i32
    %dma_wait3A_55 = arith.constant 0 : i32
    %dma_wait3A_56 = tpu.memref_slice %arg10[%rem3A_52, %dma_wait3A, %dma_wait3A_55] : memref<2x128x64xf32, #tpu.memory_space<vmem>> -> memref<1x128x64xf32, #tpu.memory_space<vmem>>
    %dma_wait3A_57 = tpu.memref_squeeze %dma_wait3A_56 : memref<1x128x64xf32, #tpu.memory_space<vmem>> -> memref<128x64xf32, #tpu.memory_space<vmem>>
    %dma_wait3A_58 = arith.constant 0 : i32
    %dma_wait3A_59 = tpu.memref_slice %arg7[%add3A_54, %dma_wait3A_58] : memref<204800x128xf32, #tpu.memory_space<hbm>> -> memref<128x64xf32, #tpu.memory_space<hbm>>
    %dma_wait3A_60 = tpu.memref_slice %arg14[%rem3A_52] : memref<2x!tpu.dma_semaphore, #tpu.memory_space<semaphore_mem>> -> memref<1x!tpu.dma_semaphore, #tpu.memory_space<semaphore_mem>>
    %dma_wait3A_61 = tpu.memref_squeeze %dma_wait3A_60 : memref<1x!tpu.dma_semaphore, #tpu.memory_space<semaphore_mem>> -> memref<!tpu.dma_semaphore, #tpu.memory_space<semaphore_mem>>
    %dma_wait3A_62 = arith.constant 0 : i32
    %dma_wait3A_63 = tpu.memref_slice %arg7[%add3A_54, %dma_wait3A_62] : memref<204800x128xf32, #tpu.memory_space<hbm>> -> memref<128x64xf32, #tpu.memory_space<hbm>>
    %dma_wait3A_64 = arith.constant 0 : i32
    %dma_wait3A_65 = arith.constant 0 : i32
    %dma_wait3A_66 = tpu.memref_slice %arg10[%rem3A_52, %dma_wait3A_64, %dma_wait3A_65] : memref<2x128x64xf32, #tpu.memory_space<vmem>> -> memref<1x128x64xf32, #tpu.memory_space<vmem>>
    %dma_wait3A_67 = tpu.memref_squeeze %dma_wait3A_66 : memref<1x128x64xf32, #tpu.memory_space<vmem>> -> memref<128x64xf32, #tpu.memory_space<vmem>>
    tpu.wait_dma2 semaphore(%dma_wait3A_61 : memref<!tpu.dma_semaphore, #tpu.memory_space<semaphore_mem>>) src(%dma_wait3A_67 : memref<128x64xf32, #tpu.memory_space<vmem>>) dst(%dma_wait3A_63 : memref<128x64xf32, #tpu.memory_space<hbm>>)
    %dma_wait3A_68 = arith.constant 0 : i32
    %dma_wait3A_69 = arith.constant 0 : i32
    %dma_wait3A_70 = tpu.memref_slice %arg11[%rem3A_52, %dma_wait3A_68, %dma_wait3A_69] : memref<2x128x32xf32, #tpu.memory_space<vmem>> -> memref<1x128x32xf32, #tpu.memory_space<vmem>>
    %dma_wait3A_71 = tpu.memref_squeeze %dma_wait3A_70 : memref<1x128x32xf32, #tpu.memory_space<vmem>> -> memref<128x32xf32, #tpu.memory_space<vmem>>
    %dma_wait3A_72 = arith.constant 64 : i32
    %dma_wait3A_73 = tpu.memref_slice %arg7[%add3A_54, %dma_wait3A_72] : memref<204800x128xf32, #tpu.memory_space<hbm>> -> memref<128x32xf32, #tpu.memory_space<hbm>>
    %dma_wait3A_74 = tpu.memref_slice %arg14[%rem3A_52] : memref<2x!tpu.dma_semaphore, #tpu.memory_space<semaphore_mem>> -> memref<1x!tpu.dma_semaphore, #tpu.memory_space<semaphore_mem>>
    %dma_wait3A_75 = tpu.memref_squeeze %dma_wait3A_74 : memref<1x!tpu.dma_semaphore, #tpu.memory_space<semaphore_mem>> -> memref<!tpu.dma_semaphore, #tpu.memory_space<semaphore_mem>>
    %dma_wait3A_76 = arith.constant 64 : i32
    %dma_wait3A_77 = tpu.memref_slice %arg7[%add3A_54, %dma_wait3A_76] : memref<204800x128xf32, #tpu.memory_space<hbm>> -> memref<128x32xf32, #tpu.memory_space<hbm>>
    %dma_wait3A_78 = arith.constant 0 : i32
    %dma_wait3A_79 = arith.constant 0 : i32
    %dma_wait3A_80 = tpu.memref_slice %arg11[%rem3A_52, %dma_wait3A_78, %dma_wait3A_79] : memref<2x128x32xf32, #tpu.memory_space<vmem>> -> memref<1x128x32xf32, #tpu.memory_space<vmem>>
    %dma_wait3A_81 = tpu.memref_squeeze %dma_wait3A_80 : memref<1x128x32xf32, #tpu.memory_space<vmem>> -> memref<128x32xf32, #tpu.memory_space<vmem>>
    tpu.wait_dma2 semaphore(%dma_wait3A_75 : memref<!tpu.dma_semaphore, #tpu.memory_space<semaphore_mem>>) src(%dma_wait3A_81 : memref<128x32xf32, #tpu.memory_space<vmem>>) dst(%dma_wait3A_77 : memref<128x32xf32, #tpu.memory_space<hbm>>)
    %dma_wait3A_82 = arith.constant 0 : i32
    %dma_wait3A_83 = arith.constant 0 : i32
    %dma_wait3A_84 = tpu.memref_slice %arg12[%rem3A_52, %dma_wait3A_82, %dma_wait3A_83] : memref<2x128x32xf32, #tpu.memory_space<vmem>> -> memref<1x128x32xf32, #tpu.memory_space<vmem>>
    %dma_wait3A_85 = tpu.memref_squeeze %dma_wait3A_84 : memref<1x128x32xf32, #tpu.memory_space<vmem>> -> memref<128x32xf32, #tpu.memory_space<vmem>>
    %dma_wait3A_86 = arith.constant 96 : i32
    %dma_wait3A_87 = tpu.memref_slice %arg7[%add3A_54, %dma_wait3A_86] : memref<204800x128xf32, #tpu.memory_space<hbm>> -> memref<128x32xf32, #tpu.memory_space<hbm>>
    %dma_wait3A_88 = tpu.memref_slice %arg14[%rem3A_52] : memref<2x!tpu.dma_semaphore, #tpu.memory_space<semaphore_mem>> -> memref<1x!tpu.dma_semaphore, #tpu.memory_space<semaphore_mem>>
    %dma_wait3A_89 = tpu.memref_squeeze %dma_wait3A_88 : memref<1x!tpu.dma_semaphore, #tpu.memory_space<semaphore_mem>> -> memref<!tpu.dma_semaphore, #tpu.memory_space<semaphore_mem>>
    %dma_wait3A_90 = arith.constant 96 : i32
    %dma_wait3A_91 = tpu.memref_slice %arg7[%add3A_54, %dma_wait3A_90] : memref<204800x128xf32, #tpu.memory_space<hbm>> -> memref<128x32xf32, #tpu.memory_space<hbm>>
    %dma_wait3A_92 = arith.constant 0 : i32
    %dma_wait3A_93 = arith.constant 0 : i32
    %dma_wait3A_94 = tpu.memref_slice %arg12[%rem3A_52, %dma_wait3A_92, %dma_wait3A_93] : memref<2x128x32xf32, #tpu.memory_space<vmem>> -> memref<1x128x32xf32, #tpu.memory_space<vmem>>
    %dma_wait3A_95 = tpu.memref_squeeze %dma_wait3A_94 : memref<1x128x32xf32, #tpu.memory_space<vmem>> -> memref<128x32xf32, #tpu.memory_space<vmem>>
    tpu.wait_dma2 semaphore(%dma_wait3A_89 : memref<!tpu.dma_semaphore, #tpu.memory_space<semaphore_mem>>) src(%dma_wait3A_95 : memref<128x32xf32, #tpu.memory_space<vmem>>) dst(%dma_wait3A_91 : memref<128x32xf32, #tpu.memory_space<hbm>>)
    return
  }
}

</mosaic_0001>

<sc_bundles>
// kernel: kernel.3.cloned.1.call-start
scs
__scs_entry_jumppad:
0x0: {  	(pc) =	sbr.rel $0x88, $3  }
0x1: {  	(tag) =	ssettag $0x0;
	lr =	simm.s32 $0x1  }
0x2: {  	[smem:$0x3F9C] =	sst lr;
	_ =	strace $0xD0000000  }
0x3: {  	_ = 	snop  }
0x4: {  	_ = 	snop  }
0x5: {  	_ = 	snop  }
0x6: {  	_ = 	snop  }
0x7: {  	_ = 	snop  }
__scs_overlays_trampoline_lowered:
0x8: {  	[smem:$0x3FAB] =	sst s0  }
0x9: {  	[smem:$0x3FAC] =	sst s1  }
0xa: {  	[smem:$0x3FAD] =	sst s2  }
0xb: {  	[smem:$0x3FAE] =	sst s3  }
0xc: {  	[smem:$0x3FAF] =	sst s4  }
0xd: {  	[smem:$0x3FB0] =	sst s5  }
0xe: {  	[smem:$0x3FB1] =	sst s6  }
0xf: {  	[smem:$0x3FB2] =	sst s7  }
0x10: {  	[smem:$0x3FB3] =	sst s8  }
0x11: {  	[smem:$0x3FB4] =	sst s9;
	s0 =	simm.s32 @!p0 $0x0  }
0x12: {  	s1 =	sld [smem:$0x3F9A];
	s0 =	simm.s32 @p0 $0x1  }
0x13: {  	[smem:$0x3FB5] =	sst s0;
	s0 =	simm.s32 @!p1 $0x0  }
0x14: {  	s2 =	sld [smem:$0x3F99];
	s0 =	simm.s32 @p1 $0x1  }
0x15: {  	[smem:$0x3FB6] =	sst s0;
	s0 =	simm.s32 @!p2 $0x0  }
0x16: {  	s3 =	sld [smem:$0x3FDB];
	s0 =	simm.s32 @p2 $0x1  }
0x17: {  	s4 =	simm.s32 $0x1BF5;
	[smem:$0x3FB8] =	sst s0  }
0x18: {  	s0 =	sld [smem:$0x3F9B];
	_ =	swait.ge [sflag:s4], $0x0  }
0x19: {  	s7 =	sld [smem:$0x3F9C]  }
0x1a: {  	s8 =	sadd.s32 $0xFFFFE003, lr  }
0x1b: {  	s9 =	sadd.s32 $0xFFFFFEF7, lr;
	s5 =	simm.s32 $0xFFFFFFFF;
	p2 =	slt.u32 s8, $0xFFFFF086  }
0x1c: {  	p1 =	slt.u32 s9, $0xF7A;
	s5 =	simm.s32 @!p2 $0x0  }
0x1d: {  	s5 =	simm.s32 @p1 $0x1;
	p0 =	seq.s32 s7, s2  }
0x1e: {  	s7 =	smul.u32 @!p0 $0xF7A, s2;
	p2 =	seq.s32 @!p0 s5, $0x0  }
0x1f: {  	s9 =	smul.u32 $0xF7A, s1;
	s8 =	simm.s32 @!p0 $0x1BF5;
	p2 =	por !p2, p0  }
0x20: {  	[sflag:s8] =	ssyncset.s32 @!p0 $0xFFFFF086;
	s6 =	sadd.s32 @!p0 s3, s7;
	s7 =	simm.s32 @!p0 $0x108  }
0x21: {  	s3 =	sadd.s32 s3, s9;
	s6 =	sadd.s32 @!p0 $0x88, s6;
	s7 =	simm.s32 @p2 $0x1082  }
0x22: {  	[simem:s7], [sflag:s8] =	dma.local @!p0 [hbm:s6], $0xF7A  }
0x23: {  	s9 =	sor.u32 $0xD0000000, s2;
	s6 =	simm.s32 $0x108;
	_ =	swait.ge @!p0 [sflag:s8], $0x0  }
0x24: {  	s3 =	sadd.s32 $0x88, s3;
	s6 =	simm.s32 @!p1 $0x1082;
	[sflag:s4] =	ssyncset.s32 $0xFFFFF086  }
0x25: {  	[simem:s6], [sflag:s4] =	dma.local [hbm:s3], $0xF7A  }
0x26: {  	[smem:$0x3F9C] =	sst s1;
	(tag) =	ssettag s2;
	_ =	strace s9  }
0x27: {  	s1 =	sld [smem:$0x3FAC]  }
0x28: {  	s2 =	sld [smem:$0x3FAD]  }
0x29: {  	s4 =	sld [smem:$0x3FAF]  }
0x2a: {  	p0 =	seq.s32 s5, $0x0;
	s5 =	sld [smem:$0x3FB0]  }
0x2b: {  	s6 =	sld [smem:$0x3FB1]  }
0x2c: {  	s7 =	sld [smem:$0x3FB2]  }
0x2d: {  	s3 =	simm.s32 $0x108;
	s8 =	sld [smem:$0x3FB3]  }
0x2e: {  	s3 =	simm.s32 @!p0 $0x1082;
	s9 =	sld [smem:$0x3FB4]  }
0x2f: {  	lr =	sadd.s32 s0, s3;
	s0 =	sld [smem:$0x3FAB]  }
0x30: {  	s3 =	sld [smem:$0x3FAE]  }
0x31: {  	[smem:$0x3FB7] =	sst s10  }
0x32: {  	s10 =	sld [smem:$0x3FB5];
	_ =	sdelay $0x3  }
0x33: {  	p0 =	seq.s32 s10, $0x1;
	s10 =	sld [smem:$0x3FB7];
	_ =	sdelay $0x3  }
0x34: {  	[smem:$0x3FB7] =	sst s10  }
0x35: {  	s10 =	sld [smem:$0x3FB6];
	_ =	sdelay $0x3  }
0x36: {  	p1 =	seq.s32 s10, $0x1;
	s10 =	sld [smem:$0x3FB7];
	_ =	sdelay $0x3  }
0x37: {  	[smem:$0x3FB7] =	sst s10  }
0x38: {  	s10 =	sld [smem:$0x3FB8]  }
0x39: {  	_ = 	snop;
	(pc) =	sbr.ind lr, $3  }
0x3a: {  	_ = 	snop  }
0x3b: {  	_ = 	snop  }
0x3c: {  	p2 =	seq.s32 s10, $0x1;
	s10 =	sld [smem:$0x3FB7]  }
0x3d: {  	_ =	shalt  }
0x3e: {  	_ =	shalt  }
0x3f: {  	_ =	shalt  }
0x40: {  	_ =	shalt  }
0x41: {  	_ =	shalt  }
0x42: {  	_ =	shalt  }
0x43: {  	_ =	shalt  }
0x44: {  	_ =	shalt  }
0x45: {  	_ =	shalt  }
0x46: {  	_ =	shalt  }
0x47: {  	_ =	shalt  }
0x48: {  	_ =	shalt  }
0x49: {  	_ =	shalt  }
0x4a: {  	_ =	shalt  }
0x4b: {  	_ =	shalt  }
0x4c: {  	_ =	shalt  }
0x4d: {  	_ =	shalt  }
0x4e: {  	_ =	shalt  }
0x4f: {  	_ =	shalt  }
0x50: {  	_ =	shalt  }
0x51: {  	_ =	shalt  }
0x52: {  	_ =	shalt  }
0x53: {  	_ =	shalt  }
0x54: {  	_ =	shalt  }
0x55: {  	_ =	shalt  }
0x56: {  	_ =	shalt  }
0x57: {  	_ =	shalt  }
0x58: {  	_ =	shalt  }
0x59: {  	_ =	shalt  }
0x5a: {  	_ =	shalt  }
0x5b: {  	_ =	shalt  }
0x5c: {  	_ =	shalt  }
0x5d: {  	_ =	shalt  }
0x5e: {  	_ =	shalt  }
0x5f: {  	_ =	shalt  }
0x60: {  	_ =	shalt  }
0x61: {  	_ =	shalt  }
0x62: {  	_ =	shalt  }
0x63: {  	_ =	shalt  }
0x64: {  	_ =	shalt  }
0x65: {  	_ =	shalt  }
0x66: {  	_ =	shalt  }
0x67: {  	_ =	shalt  }
0x68: {  	_ =	shalt  }
0x69: {  	_ =	shalt  }
0x6a: {  	_ =	shalt  }
0x6b: {  	_ =	shalt  }
0x6c: {  	_ =	shalt  }
0x6d: {  	_ =	shalt  }
0x6e: {  	_ =	shalt  }
0x6f: {  	_ =	shalt  }
0x70: {  	_ =	shalt  }
0x71: {  	_ =	shalt  }
0x72: {  	_ =	shalt  }
0x73: {  	_ =	shalt  }
0x74: {  	_ =	shalt  }
0x75: {  	_ =	shalt  }
0x76: {  	_ =	shalt  }
0x77: {  	_ =	shalt  }
0x78: {  	_ =	shalt  }
0x79: {  	_ =	shalt  }
0x7a: {  	_ =	shalt  }
0x7b: {  	_ =	shalt  }
0x7c: {  	_ =	shalt  }
0x7d: {  	_ =	shalt  }
0x7e: {  	_ =	shalt  }
0x7f: {  	_ =	shalt  }
0x80: {  	_ =	shalt  }
0x81: {  	_ =	shalt  }
0x82: {  	_ =	shalt  }
0x83: {  	_ =	shalt  }
0x84: {  	_ =	shalt  }
0x85: {  	_ =	shalt  }
0x86: {  	_ =	shalt  }
0x87: {  	_ =	shalt  }
.Lfunc_end0:
.L_simem_size_0:
called_computation_lowered:
.L_overlay_start_0:
0x88: {  	s2 =	sld [smem:$0x3FD9]  }
0x89: {  	s3 =	sld [smem:$0x3FFE];
	_ =	sdelay $0x1  }
0x8a: {  	s1 =	srdreg.scid  }
0x8b: {  	s0 =	sand.u32 $0x1, s1  }
0x8c: {  	s17 =	sshll.u32 s0, $0xA;
	s2 =	sadd.s32 s3, s2  }
0x8d: {  	s2 =	sadd.s32 s2, s17  }
0x8e: {  	[smem:$0x3FC3] =	sst s2  }
0x8f: {  	_ = 	snop  }
0x90: {  	s2 =	sld [smem:$0x3FD0];
	(tm) =	ssettm $0x1  }
0x91: {  	s18 =	sld [smem:$0x3FFB];
	_ =	sdelay $0x3  }
0x92: {  	_ =	strace s18  }
0x93: {  	s3 =	sld [smem:$0x3FFC];
	_ =	sdelay $0x3  }
0x94: {  	_ =	strace s3  }
0x95: {  	s3 =	sld [smem:$0x3FFD];
	_ =	sdelay $0x3  }
0x96: {  	_ =	strace s3  }
0x97: {  	_ =	strace $0x8FFFFFFF  }
0x98: {  	s19 =	sld [smem:$0x3FDB];
	_ =	sdelay $0x1  }
0x99: {  	s4 =	simm.s32 $_scs_section_size  }
0x9a: {  	s5 =	simm.s32 $_size__tile_overlayer_lowered;
	s6 =	simm.s32 $_tile_overlayer_lowered  }
0x9b: {  	s22 =	simm.s32 $0x1BFF;
	s21 =	sshll.u32 s6, $0x1;
	s3 =	sadd.s32 s4, s19  }
0x9c: {  	s7 =	simm.s32 $0x0;
	s20 =	sshll.u32 s5, $0x1;
	s5 =	sadd.s32 s21, s3  }
0x9d: {  	[timem:s7], [sflag:s22] =	dma.local [hbm:s5], s20  }
0x9e: {  	_ =	swait.ge [sflag:s22], s20  }
0x9f: {  	s4 =	ssub.s32 $0x0, s20;
	[sflag:s22] =	ssyncset.done $0x0  }
0xa0: {  	[sflag:s22] =	ssyncadd.s32 s4;
	_ =	sdelay $0x1  }
0xa1: {  	s23 =	simm.s32 $0x1B8B  }
0xa2: {  	_ =	swait.ge [sflag:s23], $0x1  }
0xa3: {  	[sflag:s23] =	ssyncset.done $0x0  }
0xa4: {  	s25 =	simm.s32 $0x1B8E;
	s24 =	sld [smem:$0x3FFE];
	[sflag:s23] =	ssyncadd.s32 $0xFFFFFFFF  }
0xa5: {  	s26 =	simm.s32 $execute0_lowered;
	[smem:$0x3FD2] =	sst s25  }
0xa6: {  	s5 =	sshll.u32 s26, $0x1;
	_ =	strace $0x80000046;
	[dreg:$0x1] =	wrdreg $0xFFFFFFFF  }
0xa7: {  	s28 =	simm.s32 $_size_execute0_lowered;
	s3 =	sadd.s32 s3, s5;
	[dreg:$0x0] =	wrdreg $0x0  }
0xa8: {  	s5 =	sshll.u32 s28, $0x1;
	[dreg:$0x2] =	wrdreg s3  }
0xa9: {  	[dreg:$0x3] =	wrdreg s5  }
0xaa: {  	[dreg:$0x4] =	wrdreg $0xC0  }
0xab: {  	_ =	task [dreg:s7], $0x5FFFF  }
0xac: {  	[dreg:$0x1] =	wrdreg $0xFFFFFFFF  }
0xad: {  	[dreg:$0x0] =	wrdreg $0x60  }
0xae: {  	[dreg:$0x2] =	wrdreg s24  }
0xaf: {  	[dreg:$0x3] =	wrdreg s2  }
0xb0: {  	[dreg:$0x4] =	wrdreg $0x9  }
0xb1: {  	_ =	task.clear_ibuf [dreg:s7], $0x5FFFF;
	_ =	strace $0x90000046  }
0xb2: {  	s29 =	simm.s32 $0x9;
	_ =	strace $0x80000048  }
0xb3: {  	_ =	swait.ge [sflag:s29], $0x1  }
0xb4: {  	[sflag:s29] =	ssyncadd.s32 $0xFFFFFFFF  }
0xb5: {  	_ =	strace $0x90000048  }
0xb6: {  	_ =	sfence  }
0xb7: {  	s30 =	sld [smem:$0x0];
	_ =	sdelay $0x2  }
0xb8: {  	s31 =	sshll.u32 s1, $0xD;
	s1 =	sshrl.u32 s1, $0x2  }
0xb9: {  	s3 =	sand.u32 $0x4000, s31;
	s1 =	sadd.s32 s1, s30  }
0xba: {  	s0 =	sor.u32 s3, s0;
	s1 =	sshll.u32 s1, $0x11  }
0xbb: {  	s0 =	sor.u32 s1, s0  }
0xbc: {  	s0 =	sadd.s32 $0x8F2B, s0  }
0xbd: {  	[sflag:s0] =	ssyncadd.remote.s32 $0x1  }
0xbe: {  	_ =	sfence.sel $0xFFFF  }
0xbf: {  	[dreg:$0x0] =	wrdreg $0xFFFFFFFF;
	(pc) =	sbr.abs _section_cstart, $3  }
0xc0: {  	[dreg:$0x1] =	wrdreg $0xFFFFFFFF  }
0xc1: {  	_ =	task.clear_ibuf [dreg:s7], $0x2FFFF;
	_ =	strace $0x9FFFFFFF  }
0xc2: {  	(tm) =	ssettm $0x7FFFFFFF  }
0xc3: {  	_ =	shalt  }
tec
execute0_lowered:
.L_overlay_start_1:
0x0: {  	(tag) =	ssettag $0x1  }
0x1: {  	s0 =	srdreg.scid  }
0x2: {  	s11 =	stileid.u32;
	s4 =	rddreg [dreg:$0x0]  }
0x3: {  	s5 =	rddreg [dreg:$0x1];
	s2 =	simm.s32 $0x0;
	s28 =	simm.s32 $0x40  }
0x4: {  	s29 =	simm.s32 $0x20;
	s30 =	simm.s32 $0x3;
	s18 =	smul.u32 $0x190000, s11  }
0x5: {  	s0 =	sand.u32 $0x1, s0;
	s1 =	sshll.u32 s11, $0x1;
	s11 =	smul.u32 $0x3200, s11  }
0x6: {  	s31 =	simm.s32 $0x2;
	[smem:$0x7FF] =	sst s2;
	s20 =	smul.u32 $0xC8000, s0  }
0x7: {  	s1 =	sor.u32 s0, s1;
	s8 =	ssub.s32 $0x2, s0;
	s0 =	smul.u32 $0x1900, s0  }
0x8: {  	s6 =	sadd.s32 $0xA00, s4;
	s17 =	sadd.s32 $0x8, s5;
	s3 =	smul.u32 $0x1900, s1  }
0x9: {  	s19 =	sadd.s32 $0xC, s5;
	s9 =	sshrl.u32 s8, $0x1;
	s16 =	smul.u32 $0xC800, s1  }
0xa: {  	_ =	strace $0x80000047;
	s1 =	smul.u32 $0xC8000, s1;
	s8 =	ssub.s32 s8, s9  }
0xb: {  	s0 =	sadd.s32 s0, s11;
	s3 =	sshrl.u32 s3, $0x3;
	s12 =	sadd.s32 s6, s16  }
0xc: {  	s8 =	smax.u32 s8, $0x1;
	s1 =	sshrl.u32 s1, $0x3;
	s0 =	sshll.u32 s0, $0x3  }
0xd: {  	s7 =	sadd.s32 s3, s4;
	s3 =	sadd.s32 $0x19D200, s4;
	[dreg:$0x7] =	wrdreg s8  }
0xe: {  	s4 =	sadd.s32 $0xF43000, s4;
	[dreg:$0x6] =	wrdreg s12;
	s12 =	sadd.s32 $0x400, s12  }
0xf: {  	s21 =	sadd.s32 s5, s1;
	s22 =	sadd.s32 s1, s17;
	s23 =	sadd.s32 s1, s19  }
0x10: {  	s1 =	sadd.s32 $0x18800, s1;
	s8 =	sadd.s32 s20, s18;
	[dreg:$0x8] =	wrdreg s12  }
0x11: {  	s0 =	sadd.s32 s6, s0;
	s20 =	simm.s32 $0x80;
	[dreg:$0x9] =	wrdreg s21  }
0x12: {  	s10 =	sadd.s32 $0x190A00, s7;
	s7 =	sadd.s32 $0x196E00, s7;
	[dreg:$0xa] =	wrdreg s22  }
0x13: {  	[dreg:$0xb] =	wrdreg s23;
	s24 =	sadd.s32 s5, s1;
	s8 =	sor.u32 $0x4000, s8  }
0x14: {  	s16 =	sadd.s32 $0x800, s0;
	s22 =	simm.s32 $0x9200;
	[dreg:$0x4] =	wrdreg s10  }
0x15: {  	s23 =	simm.s32 $0x5200;
	s0 =	simm.s32 $0x0;
	[dreg:$0x5] =	wrdreg s7  }
0x16: {  	[dreg:$0xc] =	wrdreg s24;
	s7 =	sadd.s32 s1, s17;
	s25 =	sshrl.u32 s8, $0x3  }
0x17: {  	s1 =	sadd.s32 s1, s19;
	s17 =	simm.s32 $0x5;
	[dreg:$0xd] =	wrdreg s7  }
0x18: {  	[dreg:$0xe] =	wrdreg s1;
	s26 =	sadd.s32 s25, s5;
	s25 =	simm.s32 $0x8200  }
0x19: {  	s1 =	simm.s32 $0x4;
	[dreg:$0x3] =	wrdreg s26;
	s26 =	simm.s32 $0xA200  }
.LBB2_1:
0x1a: {  	s5 =	rddreg [dreg:$0x4]  }
0x1b: {  	[tilespmem:s2], [sflag:$0x5] =	stream.linear.gather [hbm4b:s5+s2], $0x1900, $0x38;
	[tilespmem:$0xB200] =	vst v63  }
0x1c: {  	_ =	swait.ge [sflag:s17], $0x1900  }
0x1d: {  	[sflag:s17] =	ssyncset.done $0x0  }
0x1e: {  	s6 =	simm.s32 $0x1900;
	s11 =	rddreg [dreg:$0x5];
	[sflag:s17] =	ssyncadd.s32 $0xFFFFE700  }
0x1f: {  	[tilespmem:s6], [sflag:$0x5] =	stream.linear.gather [hbm4b:s11+s2], $0x1900, $0x38;
	[tilespmem:$0xB200] =	vst v63  }
0x20: {  	_ =	swait.ge [sflag:s17], $0x1900  }
0x21: {  	[sflag:s17] =	ssyncset.done $0x0  }
0x22: {  	s7 =	simm.s32 $0x3200;
	s12 =	rddreg [dreg:$0x6];
	[sflag:s17] =	ssyncadd.s32 $0xFFFFE700  }
0x23: {  	[tilespmem:s7], [sflag:$0x1] =	stream.linear.gather [hbm4b:s12+s2], $0x2000, $0x38;
	[tilespmem:$0xB200] =	vst v63  }
0x24: {  	s8 =	simm.s32 $0x7200  }
0x25: {  	[tilespmem:s8], [sflag:$0x1] =	stream.indirect.gather [hbm4b:s3+s20], $0x20, s6, s20, $0xb8;
	[tilespmem:$0xB200] =	vst v63  }
0x26: {  	_ = 	snop  }
0x27: {  	[tilespmem:s22], [sflag:$0x1] =	stream.indirect.gather [hbm4b:s4+s20], $0x20, s2, s20, $0xb8;
	[tilespmem:$0xB200] =	vst v63  }
0x28: {  	s13 =	rddreg [dreg:$0x8]  }
0x29: {  	[tilespmem:s23], [sflag:$0x2] =	stream.linear.gather [hbm4b:s13+s2], $0x2000, $0x38;
	[tilespmem:$0xB200] =	vst v63  }
0x2a: {  	s14 =	simm.s32 $0x1980  }
0x2b: {  	[tilespmem:s25], [sflag:$0x2] =	stream.indirect.gather [hbm4b:s3+s20], $0x20, s14, s20, $0xb8;
	[tilespmem:$0xB200] =	vst v63  }
0x2c: {  	s15 =	simm.s32 $0x1  }
0x2d: {  	[tilespmem:s26], [sflag:$0x2] =	stream.indirect.gather [hbm4b:s4+s20], $0x20, s20, s20, $0xb8;
	[tilespmem:$0xB200] =	vst v63  }
0x2e: {  	_ =	swait.ge [sflag:s15], $0x2000  }
0x2f: {  	[sflag:s15] =	ssyncset.done $0x0  }
0x30: {  	[sflag:s15] =	ssyncadd.s32 $0xFFFFE000  }
0x31: {  	_ =	swait.ge [sflag:s15], $0x1000  }
0x32: {  	[sflag:s15] =	ssyncset.done $0x0  }
0x33: {  	[sflag:s15] =	ssyncadd.s32 $0xFFFFF000  }
0x34: {  	_ =	swait.ge [sflag:s15], $0x1000  }
0x35: {  	[sflag:s15] =	ssyncset.done $0x0  }
0x36: {  	s5 =	sand.u32 $0x1, s15;
	s18 =	rddreg [dreg:$0x9];
	[sflag:s15] =	ssyncadd.s32 $0xFFFFF000  }
0x37: {  	[hbm4b:s18+s28] =	stream.strided.scatter [tilespmem:s7], [sflag:$0x3], $0x2000, s20, s28, $0x38;
	[tilespmem:$0xB200] =	vst v63  }
0x38: {  	s24 =	sxor.u32 $0x1, s5;
	s19 =	rddreg [dreg:$0xa]  }
0x39: {  	[hbm4b:s19+s29] =	stream.strided.scatter [tilespmem:s8], [sflag:$0x3], $0x1000, s20, s29, $0x38;
	[tilespmem:$0xB200] =	vst v63  }
0x3a: {  	s10 =	sadd.s32 $0x3, s24;
	s21 =	rddreg [dreg:$0xb]  }
0x3b: {  	[hbm4b:s21+s29] =	stream.strided.scatter [tilespmem:s22], [sflag:$0x3], $0x1000, s20, s29, $0x38;
	[tilespmem:$0xB200] =	vst v63  }
0x3c: {  	_ =	swait.ge [sflag:s10], $0x2000  }
0x3d: {  	[sflag:s10] =	ssyncset.done $0x0  }
0x3e: {  	[sflag:s10] =	ssyncadd.s32 $0xFFFFE000  }
0x3f: {  	_ =	swait.ge [sflag:s10], $0x1000  }
0x40: {  	[sflag:s10] =	ssyncset.done $0x0  }
0x41: {  	[sflag:s10] =	ssyncadd.s32 $0xFFFFF000  }
0x42: {  	_ =	swait.ge [sflag:s10], $0x1000  }
0x43: {  	s9 =	sshll.u32 s24, $0xC;
	s11 =	sshll.u32 s24, $0xD;
	[sflag:s10] =	ssyncset.done $0x0  }
0x44: {  	s12 =	sadd.s32 $0x3200, s11;
	s6 =	sadd.s32 $0x1, s24;
	[sflag:s10] =	ssyncadd.s32 $0xFFFFF000  }
0x45: {  	[tilespmem:s12], [sflag:s6] =	stream.linear.gather [hbm4b:s16+s2], $0x2000, $0x38;
	[tilespmem:$0xB200] =	vst v63  }
0x46: {  	s13 =	simm.s32 $0x1A00;
	s14 =	sadd.s32 $0x7200, s9  }
0x47: {  	[tilespmem:s14], [sflag:s6] =	stream.indirect.gather [hbm4b:s3+s20], $0x20, s13, s20, $0xb8;
	[tilespmem:$0xB200] =	vst v63  }
0x48: {  	s15 =	simm.s32 $0x100;
	s18 =	sadd.s32 $0x9200, s9;
	s19 =	sadd.s32 $0x1, s5  }
0x49: {  	[tilespmem:s18], [sflag:s6] =	stream.indirect.gather [hbm4b:s4+s20], $0x20, s15, s20, $0xb8;
	[tilespmem:$0xB200] =	vst v63  }
0x4a: {  	_ =	swait.ge [sflag:s19], $0x2000  }
0x4b: {  	s11 =	simm.s32 $0x1000;
	[sflag:s19] =	ssyncset.done $0x0  }
0x4c: {  	s24 =	simm.s32 $0x800;
	s8 =	sadd.s32 $0x400, s16;
	[sflag:s19] =	ssyncadd.s32 $0xFFFFE000  }
0x4d: {  	s10 =	sshll.u32 s5, $0xD;
	s12 =	simm.s32 $0x2;
	_ =	swait.ge [sflag:s19], $0x1000  }
0x4e: {  	s21 =	sadd.s32 $0x3200, s10;
	s13 =	sshll.u32 s5, $0xC;
	[sflag:s19] =	ssyncset.done $0x0  }
0x4f: {  	s10 =	simm.s32 $0x180;
	s7 =	sadd.s32 $0x9200, s13;
	[sflag:s19] =	ssyncadd.s32 $0xFFFFF000  }
0x50: {  	s6 =	simm.s32 $0x1A80;
	s18 =	sadd.s32 $0x3, s5;
	_ =	swait.ge [sflag:s19], $0x1000  }
0x51: {  	s5 =	sand.u32 $0x1, s12;
	s14 =	rddreg [dreg:$0x3];
	[sflag:s19] =	ssyncset.done $0x0  }
0x52: {  	s15 =	sxor.u32 $0x1, s5;
	[sflag:s19] =	ssyncadd.s32 $0xFFFFF000;
	s19 =	sadd.s32 $0x0, s14  }
0x53: {  	[hbm4b:s19+s28] =	stream.strided.scatter [tilespmem:s21], [sflag:s18], $0x2000, s20, s28, $0x38;
	[tilespmem:$0xB200] =	vst v63  }
0x54: {  	s9 =	sshll.u32 s5, $0xD;
	s14 =	sadd.s32 $0x7200, s13;
	s13 =	sadd.s32 $0x8, s19  }
.LBB2_2:
0x55: {  	[hbm4b:s13+s29] =	stream.strided.scatter [tilespmem:s14], [sflag:s18], $0x1000, s20, s29, $0x38;
	[tilespmem:$0xB200] =	vst v63  }
0x56: {  	s21 =	sadd.s32 $0x3, s15;
	s19 =	sadd.s32 $0xC, s19  }
0x57: {  	[hbm4b:s19+s29] =	stream.strided.scatter [tilespmem:s7], [sflag:s18], $0x1000, s20, s29, $0x38;
	[tilespmem:$0xB200] =	vst v63  }
0x58: {  	_ =	swait.ge [sflag:s21], $0x2000  }
0x59: {  	[sflag:s21] =	ssyncset.done $0x0  }
0x5a: {  	[sflag:s21] =	ssyncadd.s32 $0xFFFFE000  }
0x5b: {  	_ =	swait.ge [sflag:s21], $0x1000  }
0x5c: {  	[sflag:s21] =	ssyncset.done $0x0  }
0x5d: {  	[sflag:s21] =	ssyncadd.s32 $0xFFFFF000  }
0x5e: {  	_ =	swait.ge [sflag:s21], $0x1000  }
0x5f: {  	s18 =	sshll.u32 s15, $0xD;
	s19 =	sshll.u32 s15, $0xC;
	[sflag:s21] =	ssyncset.done $0x0  }
0x60: {  	s15 =	sadd.s32 $0x1, s15;
	s18 =	sadd.s32 $0x3200, s18;
	[sflag:s21] =	ssyncadd.s32 $0xFFFFF000  }
0x61: {  	[tilespmem:s18], [sflag:s15] =	stream.linear.gather [hbm4b:s8+s2], $0x2000, $0x38;
	[tilespmem:$0xB200] =	vst v63  }
0x62: {  	s21 =	sadd.s32 $0x7200, s19  }
0x63: {  	[tilespmem:s21], [sflag:s15] =	stream.indirect.gather [hbm4b:s3+s20], $0x20, s6, s20, $0xb8;
	[tilespmem:$0xB200] =	vst v63  }
0x64: {  	s21 =	sadd.s32 $0x9200, s19;
	s19 =	sadd.s32 $0x1, s5  }
0x65: {  	[tilespmem:s21], [sflag:s15] =	stream.indirect.gather [hbm4b:s4+s20], $0x20, s10, s20, $0xb8;
	[tilespmem:$0xB200] =	vst v63  }
0x66: {  	s13 =	smov.u32 s24;
	_ =	swait.ge [sflag:s19], $0x2000  }
0x67: {  	s24 =	smov.u32 s11;
	s14 =	sshll.u32 s5, $0xC;
	[sflag:s19] =	ssyncset.done $0x0  }
0x68: {  	p0 =	sne.s32 s11, $0x17800;
	s11 =	sadd.s32 $0x800, s11;
	[sflag:s19] =	ssyncadd.s32 $0xFFFFE000  }
0x69: {  	s12 =	sadd.s32 $0x1, s12;
	s9 =	sadd.s32 $0x3200, s9;
	_ =	swait.ge [sflag:s19], $0x1000  }
0x6a: {  	s7 =	sadd.s32 $0x9200, s14;
	s14 =	sadd.s32 $0x7200, s14;
	[sflag:s19] =	ssyncset.done $0x0  }
0x6b: {  	s8 =	sadd.s32 $0x400, s8;
	s18 =	sadd.s32 $0x3, s5;
	[sflag:s19] =	ssyncadd.s32 $0xFFFFF000  }
.Ltmp0:
0x6c: {  	s6 =	sadd.s32 $0x80, s6;
	_ =	swait.ge [sflag:s19], $0x1000;
	(pc) =	sbr.rel @p0 .LBB2_2-.Ltmp0, $4  }
0x6d: {  	s5 =	sand.u32 $0x1, s12;
	s21 =	rddreg [dreg:$0x3];
	[sflag:s19] =	ssyncset.done $0x0  }
0x6e: {  	s10 =	sadd.s32 $0x80, s10;
	[sflag:s19] =	ssyncadd.s32 $0xFFFFF000;
	s19 =	sadd.s32 s13, s21  }
0x6f: {  	[hbm4b:s19+s28] =	stream.strided.scatter [tilespmem:s9], [sflag:s18], $0x2000, s20, s28, $0x38;
	[tilespmem:$0xB200] =	vst v63  }
0x70: {  	s15 =	sxor.u32 $0x1, s5;
	s9 =	sshll.u32 s5, $0xD;
	s13 =	sadd.s32 $0x8, s19  }
0x71: {  	[hbm4b:s13+s29] =	stream.strided.scatter [tilespmem:s14], [sflag:s18], $0x1000, s20, s29, $0x38;
	[tilespmem:$0xB200] =	vst v63  }
0x72: {  	s11 =	sadd.s32 $0xC, s19;
	s12 =	sadd.s32 $0x3, s15  }
0x73: {  	[hbm4b:s11+s29] =	stream.strided.scatter [tilespmem:s7], [sflag:s18], $0x1000, s20, s29, $0x38;
	[tilespmem:$0xB200] =	vst v63  }
0x74: {  	_ =	swait.ge [sflag:s12], $0x2000  }
0x75: {  	[sflag:s12] =	ssyncset.done $0x0  }
0x76: {  	[sflag:s12] =	ssyncadd.s32 $0xFFFFE000  }
0x77: {  	_ =	swait.ge [sflag:s12], $0x1000  }
0x78: {  	[sflag:s12] =	ssyncset.done $0x0  }
0x79: {  	[sflag:s12] =	ssyncadd.s32 $0xFFFFF000  }
0x7a: {  	_ =	swait.ge [sflag:s12], $0x1000  }
0x7b: {  	s13 =	sshll.u32 s15, $0xD;
	s19 =	sshll.u32 s15, $0xC;
	[sflag:s12] =	ssyncset.done $0x0  }
0x7c: {  	s14 =	sadd.s32 $0x3200, s13;
	s18 =	sadd.s32 $0x1, s15;
	[sflag:s12] =	ssyncadd.s32 $0xFFFFF000  }
0x7d: {  	[tilespmem:s14], [sflag:s18] =	stream.linear.gather [hbm4b:s8+s2], $0x2000, $0x38;
	[tilespmem:$0xB200] =	vst v63  }
0x7e: {  	s21 =	sadd.s32 $0x7200, s19  }
0x7f: {  	[tilespmem:s21], [sflag:s18] =	stream.indirect.gather [hbm4b:s3+s20], $0x20, s6, s20, $0xb8;
	[tilespmem:$0xB200] =	vst v63  }
0x80: {  	s7 =	sadd.s32 $0x9200, s19;
	s8 =	sadd.s32 $0x1, s5  }
0x81: {  	[tilespmem:s7], [sflag:s18] =	stream.indirect.gather [hbm4b:s4+s20], $0x20, s10, s20, $0xb8;
	[tilespmem:$0xB200] =	vst v63  }
0x82: {  	_ =	swait.ge [sflag:s8], $0x2000  }
0x83: {  	[sflag:s8] =	ssyncset.done $0x0  }
0x84: {  	[sflag:s8] =	ssyncadd.s32 $0xFFFFE000  }
0x85: {  	_ =	swait.ge [sflag:s8], $0x1000  }
0x86: {  	[sflag:s8] =	ssyncset.done $0x0  }
0x87: {  	[sflag:s8] =	ssyncadd.s32 $0xFFFFF000  }
0x88: {  	s13 =	sadd.s32 $0x3200, s9;
	_ =	swait.ge [sflag:s8], $0x1000  }
0x89: {  	s11 =	sshll.u32 s5, $0xC;
	s10 =	rddreg [dreg:$0x3];
	[sflag:s8] =	ssyncset.done $0x0  }
0x8a: {  	s12 =	sadd.s32 $0x3, s5;
	[sflag:s8] =	ssyncadd.s32 $0xFFFFF000;
	s7 =	sadd.s32 s24, s10  }
0x8b: {  	[hbm4b:s7+s28] =	stream.strided.scatter [tilespmem:s13], [sflag:s12], $0x2000, s20, s28, $0x38;
	[tilespmem:$0xB200] =	vst v63  }
0x8c: {  	s14 =	sadd.s32 $0x7200, s11;
	s15 =	sadd.s32 $0x8, s7  }
0x8d: {  	[hbm4b:s15+s29] =	stream.strided.scatter [tilespmem:s14], [sflag:s12], $0x1000, s20, s29, $0x38;
	[tilespmem:$0xB200] =	vst v63  }
0x8e: {  	s6 =	sadd.s32 $0x9200, s11;
	s7 =	sadd.s32 $0xC, s7  }
0x8f: {  	[hbm4b:s7+s29] =	stream.strided.scatter [tilespmem:s6], [sflag:s12], $0x1000, s20, s29, $0x38;
	[tilespmem:$0xB200] =	vst v63  }
0x90: {  	_ =	swait.ge [sflag:s30], $0x2000  }
0x91: {  	[sflag:s30] =	ssyncset.done $0x0  }
0x92: {  	[sflag:s30] =	ssyncadd.s32 $0xFFFFE000  }
0x93: {  	_ =	swait.ge [sflag:s30], $0x1000  }
0x94: {  	[sflag:s30] =	ssyncset.done $0x0  }
0x95: {  	[sflag:s30] =	ssyncadd.s32 $0xFFFFF000  }
0x96: {  	_ =	swait.ge [sflag:s30], $0x1000  }
0x97: {  	[sflag:s30] =	ssyncset.done $0x0  }
0x98: {  	[sflag:s30] =	ssyncadd.s32 $0xFFFFF000  }
0x99: {  	_ =	swait.ge [sflag:s31], $0x2000  }
0x9a: {  	[sflag:s31] =	ssyncset.done $0x0  }
0x9b: {  	[sflag:s31] =	ssyncadd.s32 $0xFFFFE000  }
0x9c: {  	_ =	swait.ge [sflag:s31], $0x1000  }
0x9d: {  	[sflag:s31] =	ssyncset.done $0x0  }
0x9e: {  	[sflag:s31] =	ssyncadd.s32 $0xFFFFF000  }
0x9f: {  	_ =	swait.ge [sflag:s31], $0x1000  }
0xa0: {  	[sflag:s31] =	ssyncset.done $0x0  }
0xa1: {  	s18 =	rddreg [dreg:$0xc];
	[sflag:s31] =	ssyncadd.s32 $0xFFFFF000  }
0xa2: {  	[hbm4b:s18+s28] =	stream.strided.scatter [tilespmem:s23], [sflag:$0x4], $0x2000, s20, s28, $0x38;
	[tilespmem:$0xB200] =	vst v63  }
0xa3: {  	s19 =	rddreg [dreg:$0xd]  }
0xa4: {  	[hbm4b:s19+s29] =	stream.strided.scatter [tilespmem:s25], [sflag:$0x4], $0x1000, s20, s29, $0x38;
	[tilespmem:$0xB200] =	vst v63  }
0xa5: {  	s21 =	rddreg [dreg:$0xe]  }
0xa6: {  	[hbm4b:s21+s29] =	stream.strided.scatter [tilespmem:s26], [sflag:$0x4], $0x1000, s20, s29, $0x38;
	[tilespmem:$0xB200] =	vst v63  }
0xa7: {  	_ =	swait.ge [sflag:s1], $0x2000  }
0xa8: {  	[sflag:s1] =	ssyncset.done $0x0  }
0xa9: {  	[sflag:s1] =	ssyncadd.s32 $0xFFFFE000  }
0xaa: {  	_ =	swait.ge [sflag:s1], $0x1000  }
0xab: {  	[sflag:s1] =	ssyncset.done $0x0  }
0xac: {  	[sflag:s1] =	ssyncadd.s32 $0xFFFFF000  }
0xad: {  	_ =	swait.ge [sflag:s1], $0x1000  }
0xae: {  	s0 =	sadd.s32 $0x1, s0;
	s24 =	rddreg [dreg:$0x7]  }
0xaf: {  	p0 =	sne.s32 s0, s24  }
.Ltmp1:
0xb0: {  	_ = 	snop;
	(pc) =	sbr.rel @p0 .LBB2_1-.Ltmp1, $3  }
0xb1: {  	_ =	sdelay $0x1  }
0xb2: {  	[sflag:s1] =	ssyncset.done $0x0  }
0xb3: {  	[sflag:s1] =	ssyncadd.s32 $0xFFFFF000  }
0xb4: {  	_ =	sfence.sel $0x180000  }
0xb5: {  	[bflag:$0x0] =	sbarrier.arrive $0xFFFF  }
0xb6: {  	_ =	strace $0x90000047  }
0xb7: {  	s0 =	stileid.u32;
	[bflag:$0x2] =	sbarrier.arrive $0xFFFF  }
0xb8: {  	p0 =	sne.s32 s0, $0x0;
	s0 =	rddreg [dreg:$0x2]  }
0xb9: {  	s0 =	sadd.s32 @!p0 $0x100000, s0  }
0xba: {  	[sflag:s0] =	ssyncadd.tile.s32 @!p0 $0x1;
	_ =	shalt  }
.Lfunc_end2:
_tile_overlayer_lowered:
.L_overlay_start_2:
0xbb: {  	(tag) =	ssettag $0x2  }
0xbc: {  	s0 =	rddreg [dreg:$0x0];
	s2 =	stileid.u32  }
0xbd: {  	s1 =	rddreg [dreg:$0x1];
	p0 =	sne.s32 s2, $0x0  }
0xbe: {  	s3 =	rddreg [dreg:$0x2];
	[bflag:$0x3] =	sbarrier.arrive $0xFFFF;
	s2 =	simm.s32 @!p0 $0x1C05  }
0xbf: {  	[timem:s3], [sflag:s2] =	dma.local @!p0 [hbm:s0], s1  }
0xc0: {  	s0 =	simm.s32 @!p0 $0x5  }
0xc1: {  	_ =	swait.ge @!p0 [sflag:s0], s1  }
0xc2: {  	s1 =	ssub.s32 @!p0 $0x0, s1;
	[sflag:s0] =	ssyncset.done @!p0 $0x0  }
0xc3: {  	[sflag:s0] =	ssyncadd.s32 @!p0 s1  }
0xc4: {  	[bflag:$0x3] =	sbarrier.arrive $0xFFFF  }
0xc5: {  	_ =	shalt  }

</sc_bundles>
